<compile_context>
chip_gen: v7x
topology: tpu7x:2x2x1
jax: 0.10.2.dev20260603
libtpu: 0.0.44.dev20260713+nightly
codegen_flags: <defaults>
</compile_context>

<pallas_src>
import functools

import numpy as np
import jax
import jax.numpy as jnp
from jax import lax
from jax.experimental import pallas as pl
from jax.experimental.pallas import tpu as pltpu
from jax.experimental.pallas import tpu_sc as plsc

_N, _C, _H, _W = 32, 3, 512, 512
_P = 16
_HP = _H // _P
_WP = _W // _P
_L = _HP * _WP
_MASK_RATIO = 0.75
_REMOVE = int(_L * _MASK_RATIO)
_KEEP = int(_L * (1 - _MASK_RATIO))
_NMOM = 9

_BF = jnp.bfloat16
_DOT = functools.partial(jnp.dot, preferred_element_type=jnp.float32)


def _split3(v):
    b1 = v.astype(_BF)
    r = v - b1.astype(jnp.float32)
    b2 = r.astype(_BF)
    r = r - b2.astype(jnp.float32)
    b3 = r.astype(_BF)
    return b1, b2, b3


def _stack_l(b1, b2, b3):
    return jnp.concatenate([b1, b1, b2, b1, b2, b3], axis=1)


def _stack_m(b1, b2, b3):
    return jnp.concatenate([b1, b2, b1, b3, b2, b1], axis=0)


def _cat0(x):
    return jnp.concatenate(_split3(x), axis=0)


def _cat1(x):
    return jnp.concatenate(_split3(x), axis=1)


def _dft_mats():
    idx = np.arange(_H, dtype=np.int64)
    jk = np.outer(idx, idx) % _H
    ang = 2.0 * np.pi * jk.astype(np.float64) / _H
    return (np.cos(ang).astype(np.float32), np.sin(ang).astype(np.float32))


def _pool_mats():
    sp = np.zeros((_H, _HP), dtype=np.float32)
    sp[np.arange(_H), np.arange(_H) // _P] = 1.0
    return sp.T.copy(), sp


def _pool(x, ste_ref, spe_ref):
    xs = _cat0(x)
    p = _DOT(ste_ref[...], xs)
    ps = _cat1(p)
    return _DOT(ps, spe_ref[...])


def _p1(img_ref, cl_ref, sl_ref, cr_ref, sr_ref, ste_ref, spe_ref,
        ol_ref, g_ref, mag_ref, e_ref, mom_ref):
    CL = cl_ref[...]
    SL = sl_ref[...]
    CR = cr_ref[...]
    SR = sr_ref[...]
    mags = []
    qs = []
    for ch in range(_C):
        X = img_ref[0, ch]
        Xs = _stack_m(*_split3(X))
        A = _DOT(CL, Xs)
        B = _DOT(SL, Xs)
        As = _stack_l(*_split3(A))
        Bs = _stack_l(*_split3(B))
        Re = _DOT(As, CR) - _DOT(Bs, SR)
        Im = _DOT(As, SR) + _DOT(Bs, CR)
        mg = jnp.sqrt(Re * Re + Im * Im) * (1.0 / 512.0)
        mag_ref[0, ch] = mg
        mags.append(mg)
        qs.append(_pool(mg, ste_ref, spe_ref))
    e_ref[0] = (qs[0] + qs[1] + qs[2]) * (1.0 / (_P * _P * _C))
    for a in range(_C):
        for b in range(a, _C):
            qs.append(_pool(mags[a] * mags[b], ste_ref, spe_ref))
    qq = jnp.concatenate(qs, axis=1)
    cs = _DOT(ol_ref[...], _cat0(qq))
    tot = _DOT(_cat1(cs), g_ref[...])
    mom_ref[0] = tot[0:1, :]


def _p2(par_ref, mag_ref, e_ref, ste_ref, spe_ref, out_ref):
    m0 = mag_ref[0, 0]
    m1 = mag_ref[0, 1]
    m2 = mag_ref[0, 2]
    fw = jnp.full((_H, _W), par_ref[5, 0], jnp.float32)
    for o in range(16):
        xo = (m0 * par_ref[0, o] + m1 * par_ref[1, o] + m2 * par_ref[2, o]
              + par_ref[3, o])
        fw = fw + jnp.maximum(xo, 0.0) * par_ref[4, o]
    fwp = _pool(fw, ste_ref, spe_ref) * (1.0 / (_P * _P))
    sig = 1.0 / (1.0 + jnp.exp(-fwp))
    out_ref[0] = e_ref[0] * sig


def _p3(e_ref, m_ref):
    ev = e_ref[0]
    R = jnp.broadcast_to(ev, (_L, _L))
    ri = lax.broadcasted_iota(jnp.int32, (_L, _L), 0)
    ci = lax.broadcasted_iota(jnp.int32, (_L, _L), 1)
    ecol = jnp.sum(jnp.where(ri == ci, R, 0.0), axis=1,
                   keepdims=True)
    gt = (R > ecol).astype(jnp.float32)
    tie = ((R == ecol) & (ci < ri)).astype(jnp.float32)
    rank = jnp.sum(gt + tie, axis=1, keepdims=True)
    m_ref[0] = (rank < _REMOVE).astype(jnp.float32)


def _sc_gather(mask_flat, idx_flat):
    info = plsc.get_sparse_core_info()
    nw = info.num_cores * info.num_subcores
    total = _N * _L
    chunk = total // nw
    mesh = plsc.VectorSubcoreMesh(core_axis_name="c", subcore_axis_name="s")

    @functools.partial(
        pl.kernel, mesh=mesh,
        compiler_params=pltpu.CompilerParams(needs_layout_passes=False),
        out_type=jax.ShapeDtypeStruct((total,), jnp.float32),
        scratch_types=[
            pltpu.VMEM((total,), jnp.float32),
            pltpu.VMEM((chunk,), jnp.int32),
            pltpu.VMEM((chunk,), jnp.float32),
        ],
    )
    def k(mask_hbm, idx_hbm, out_hbm, tbl_v, idx_v, out_v):
        wid = lax.axis_index("s") * info.num_cores + lax.axis_index("c")
        base = wid * chunk
        pltpu.sync_copy(mask_hbm, tbl_v)
        pltpu.sync_copy(idx_hbm.at[pl.ds(base, chunk)], idx_v)
        for v in range(chunk // 16):
            iv = idx_v[pl.ds(v * 16, 16)]
            out_v[pl.ds(v * 16, 16)] = plsc.load_gather(tbl_v, [iv])
        pltpu.sync_copy(out_v, out_hbm.at[pl.ds(base, chunk)])

    return k(mask_flat, idx_flat)


def _energy_rows(img, W1, gamma, beta, W2, b2):
    Cn, Sn = _dft_mats()
    Stn, Spn = _pool_mats()
    c1, c2, c3 = _split3(jnp.asarray(Cn))
    s1, s2, s3 = _split3(jnp.asarray(Sn))
    CL = _stack_l(c1, c2, c3)
    SL = _stack_l(s1, s2, s3)
    CR = _stack_m(c1, c2, c3)
    SR = _stack_m(s1, s2, s3)
    St = jnp.asarray(Stn).astype(_BF)
    Sp = jnp.asarray(Spn).astype(_BF)
    StE = jnp.concatenate([St, St, St], axis=1)
    SpE = jnp.concatenate([Sp, Sp, Sp], axis=0)
    OL = jnp.ones((8, 3 * _HP), _BF)
    gn = np.zeros((3 * _NMOM * _WP, 16), np.float32)
    cols = np.arange(3 * _NMOM * _WP)
    gn[cols, (cols % (_NMOM * _WP)) // _WP] = 1.0
    G = jnp.asarray(gn).astype(_BF)

    rep = lambda n: (0, 0)
    mag, e_grid, mom = pl.pallas_call(
        _p1,
        grid=(_N,),
        in_specs=[
            pl.BlockSpec((1, _C, _H, _W), lambda n: (n, 0, 0, 0)),
            pl.BlockSpec((_H, 6 * _H), rep),
            pl.BlockSpec((_H, 6 * _H), rep),
            pl.BlockSpec((6 * _H, _H), rep),
            pl.BlockSpec((6 * _H, _H), rep),
            pl.BlockSpec((_HP, 3 * _H), rep),
            pl.BlockSpec((3 * _H, _WP), rep),
            pl.BlockSpec((8, 3 * _HP), rep),
            pl.BlockSpec((3 * _NMOM * _WP, 16), rep),
        ],
        out_specs=[
            pl.BlockSpec((1, _C, _H, _W), lambda n: (n, 0, 0, 0)),
            pl.BlockSpec((1, _HP, _WP), lambda n: (n, 0, 0)),
            pl.BlockSpec((1, 1, 16), lambda n: (n, 0, 0)),
        ],
        out_shape=[
            jax.ShapeDtypeStruct((_N, _C, _H, _W), jnp.float32),
            jax.ShapeDtypeStruct((_N, _HP, _WP), jnp.float32),
            jax.ShapeDtypeStruct((_N, 1, 16), jnp.float32),
        ],
    )(img, CL, SL, CR, SR, StE, SpE, OL, G)

    s = mom.reshape(_N, 16).sum(axis=0) / float(_N * _H * _W)
    m3 = s[:3]
    M = jnp.stack([
        jnp.stack([s[3], s[4], s[5]]),
        jnp.stack([s[4], s[6], s[7]]),
        jnp.stack([s[5], s[7], s[8]]),
    ])
    mean16 = W1 @ m3
    ex2 = jnp.einsum('oc,cd,od->o', W1, M, W1)
    var16 = ex2 - mean16 * mean16
    a16 = gamma / jnp.sqrt(var16 + 1e-5)
    W1f = W1 * a16[:, None]
    b1f = beta - mean16 * a16
    par = jnp.stack([W1f[:, 0], W1f[:, 1], W1f[:, 2], b1f, W2[0],
                     jnp.full((16,), b2[0], jnp.float32)])

    e_final = pl.pallas_call(
        _p2,
        grid=(_N,),
        in_specs=[
            pl.BlockSpec(memory_space=pltpu.SMEM),
            pl.BlockSpec((1, _C, _H, _W), lambda n: (n, 0, 0, 0)),
            pl.BlockSpec((1, _HP, _WP), lambda n: (n, 0, 0)),
            pl.BlockSpec((_HP, 3 * _H), rep),
            pl.BlockSpec((3 * _H, _WP), rep),
        ],
        out_specs=pl.BlockSpec((1, _HP, _WP), lambda n: (n, 0, 0)),
        out_shape=jax.ShapeDtypeStruct((_N, _HP, _WP), jnp.float32),
    )(par, mag, e_grid, StE, SpE)

    return e_final.reshape(_N, 1, _L)


def kernel(img, W1, gamma, beta, W2, b2):
    Cn, Sn = _dft_mats()
    Stn, Spn = _pool_mats()
    c1, c2, c3 = _split3(jnp.asarray(Cn))
    s1, s2, s3 = _split3(jnp.asarray(Sn))
    CL = _stack_l(c1, c2, c3)
    SL = _stack_l(s1, s2, s3)
    CR = _stack_m(c1, c2, c3)
    SR = _stack_m(s1, s2, s3)
    St = jnp.asarray(Stn).astype(_BF)
    Sp = jnp.asarray(Spn).astype(_BF)
    StE = jnp.concatenate([St, St, St], axis=1)
    SpE = jnp.concatenate([Sp, Sp, Sp], axis=0)
    OL = jnp.ones((8, 3 * _HP), _BF)
    gn = np.zeros((3 * _NMOM * _WP, 16), np.float32)
    cols = np.arange(3 * _NMOM * _WP)
    gn[cols, (cols % (_NMOM * _WP)) // _WP] = 1.0
    G = jnp.asarray(gn).astype(_BF)
    rep = lambda n: (0, 0)
    mag, e_grid, mom = pl.pallas_call(
        _p1,
        grid=(_N,),
        in_specs=[
            pl.BlockSpec((1, _C, _H, _W), lambda n: (n, 0, 0, 0)),
            pl.BlockSpec((_H, 6 * _H), rep),
            pl.BlockSpec((_H, 6 * _H), rep),
            pl.BlockSpec((6 * _H, _H), rep),
            pl.BlockSpec((6 * _H, _H), rep),
            pl.BlockSpec((_HP, 3 * _H), rep),
            pl.BlockSpec((3 * _H, _WP), rep),
            pl.BlockSpec((8, 3 * _HP), rep),
            pl.BlockSpec((3 * _NMOM * _WP, 16), rep),
        ],
        out_specs=[
            pl.BlockSpec((1, _C, _H, _W), lambda n: (n, 0, 0, 0)),
            pl.BlockSpec((1, _HP, _WP), lambda n: (n, 0, 0)),
            pl.BlockSpec((1, 1, 16), lambda n: (n, 0, 0)),
        ],
        out_shape=[
            jax.ShapeDtypeStruct((_N, _C, _H, _W), jnp.float32),
            jax.ShapeDtypeStruct((_N, _HP, _WP), jnp.float32),
            jax.ShapeDtypeStruct((_N, 1, 16), jnp.float32),
        ],
    )(img, CL, SL, CR, SR, StE, SpE, OL, G)
    patches = mag.reshape(_N, _C, _HP, _P, _WP, _P).transpose(
        0, 1, 2, 4, 3, 5).reshape(_N, _C, _L, _P, _P)
    energy = patches.mean(axis=(3, 4)).mean(axis=1)
    x = jnp.einsum('nchw,oc->nohw', mag, W1)
    mean = x.mean(axis=(0, 2, 3))
    var = x.var(axis=(0, 2, 3))
    x = (x - mean[None, :, None, None]) / jnp.sqrt(
        var[None, :, None, None] + 1e-5)
    x = x * gamma[None, :, None, None] + beta[None, :, None, None]
    x = jax.nn.relu(x)
    fw = jnp.einsum('nchw,oc->nohw', x, W2) + b2[None, :, None, None]
    fwp = fw.reshape(_N, 1, _HP, _P, _WP, _P).transpose(
        0, 1, 2, 4, 3, 5).reshape(_N, 1, _L, _P * _P)
    freq_weights = fwp.mean(axis=3).reshape(_N, _L)
    freq_weights = jax.nn.sigmoid(freq_weights)
    energy = energy * freq_weights
    e_rows = energy.reshape(_N, 1, _L)
    mask_pre = pl.pallas_call(
        _p3,
        grid=(_N,),
        in_specs=[pl.BlockSpec((1, 1, _L), lambda n: (n, 0, 0))],
        out_specs=pl.BlockSpec((1, _L, 1), lambda n: (n, 0, 0)),
        out_shape=jax.ShapeDtypeStruct((_N, _L, 1), jnp.float32),
    )(e_rows)
    noise = jax.random.uniform(jax.random.key(42), (_N, _L),
                               dtype=jnp.float32)
    ids_shuffle = jnp.argsort(noise, axis=1)
    ids_restore = jnp.argsort(ids_shuffle, axis=1)
    ids_keep = ids_shuffle[:, :_KEEP]
    gidx = (jnp.arange(_N, dtype=jnp.int32)[:, None] * _L
            + ids_restore.astype(jnp.int32)).reshape(_N * _L)
    out_flat = _sc_gather(mask_pre.reshape(_N * _L), gidx)
    mask = out_flat.reshape(_N, _L)
    return (mask, ids_restore, ids_keep)

# --- scband reference (transcript-rebuilt; emitter-appended) ---
"""Pipeline reference for scband-frequency-aware-masking-86509231276349 (READ-ONLY COPY).

The authoritative reference and input builder live on the scoring server;
editing this copy changes nothing except your own understanding.
"""

import jax, jax.numpy as jnp
import numpy as np


def setup_inputs(seed: int = 0) -> dict:
    key = jax.random.key(seed)
    k1, k2, k3 = jax.random.split(key, 3)
    img = jax.random.normal(k1, (32, 3, 512, 512), dtype=jnp.float32)
    # learned params: Conv2d(3,16,1,bias=False) -> BN(16) -> ReLU -> Conv2d(16,1,1,bias=True)
    W1 = jax.random.normal(k2, (16, 3), dtype=jnp.float32) * 0.1
    gamma = jnp.ones((16,), dtype=jnp.float32)
    beta = jnp.zeros((16,), dtype=jnp.float32)
    W2 = jax.random.normal(k3, (1, 16), dtype=jnp.float32) * 0.1
    b2 = jnp.zeros((1,), dtype=jnp.float32)
    return {"img": img, "W1": W1, "gamma": gamma, "beta": beta, "W2": W2, "b2": b2}


def _patchify(x, p):
    N, C, H, W = x.shape
    h, w = H // p, W // p
    return x.reshape(N, C, h, p, w, p).transpose(0, 1, 2, 4, 3, 5).reshape(N, C, h * w, p, p)


def reference(img, W1, gamma, beta, W2, b2):
    N, C, H, W = img.shape
    p = 16
    mask_ratio = 0.75
    h = H // p
    w = W // p
    L = h * w
    # frequency magnitude
    fft = jnp.fft.fft2(img, norm='ortho')
    magnitude = jnp.abs(fft)
    # per-patch energy
    patches = _patchify(magnitude, p)  # [N, C, L, p, p]
    energy = patches.mean(axis=(3, 4)).mean(axis=1)  # [N, L]
    # freq_weight_conv: 1x1 conv -> BN (batch stats, training mode) -> ReLU -> 1x1 conv
    x = jnp.einsum('nchw,oc->nohw', magnitude, W1)
    mean = x.mean(axis=(0, 2, 3))
    var = x.var(axis=(0, 2, 3))
    x = (x - mean[None, :, None, None]) / jnp.sqrt(var[None, :, None, None] + 1e-5)
    x = x * gamma[None, :, None, None] + beta[None, :, None, None]
    x = jax.nn.relu(x)
    fw = jnp.einsum('nchw,oc->nohw', x, W2) + b2[None, :, None, None]  # [N,1,H,W]
    fwp = fw.reshape(N, 1, h, p, w, p).transpose(0, 1, 2, 4, 3, 5).reshape(N, 1, h * w, p * p)
    freq_weights = fwp.mean(axis=3).reshape(N, L)
    freq_weights = jax.nn.sigmoid(freq_weights)
    energy = energy * freq_weights
    energy = (energy - energy.min()) / (energy.max() - energy.min() + 1e-8)
    len_remove = int(L * mask_ratio)
    indices = jnp.argsort(-energy, axis=1)  # descending sort indices
    mask = jnp.zeros((N, L), dtype=jnp.float32)
    rows = jnp.arange(N)[:, None]
    mask = mask.at[rows, indices[:, :len_remove]].set(1.0)
    # random shuffle of patch ids
    noise = jax.random.uniform(jax.random.key(42), (N, L), dtype=jnp.float32)
    ids_shuffle = jnp.argsort(noise, axis=1)
    ids_restore = jnp.argsort(ids_shuffle, axis=1)
    ids_keep = ids_shuffle[:, :int(L * (1 - mask_ratio))]
    mask = jnp.take_along_axis(mask, ids_restore, axis=1)
    return (mask, ids_restore, ids_keep)

if __name__ == "__main__":
    import jax
    _d = setup_inputs()
    print(jax.jit(kernel)(*tuple(_d.values())))

</pallas_src>

<mosaic_0001>
#map = affine_map<(d0, d1) -> (0)>
module attributes {stable_mosaic.version = 14 : i64} {
  func.func @k(%arg0: i32, %arg1: i32, %arg2: memref<32768xf32, #tpu.memory_space<hbm>>, %arg3: memref<32768xi32, #tpu.memory_space<hbm>>, %arg4: memref<32768xf32, #tpu.memory_space<hbm>>, %arg5: memref<32768xf32, #tpu.memory_space<vmem>>, %arg6: memref<1024xi32, #tpu.memory_space<vmem>>, %arg7: memref<1024xf32, #tpu.memory_space<vmem>>) attributes {dimension_semantics = [#tpu.dimension_semantics<core_parallel>, #tpu.dimension_semantics<subcore_parallel>], iteration_bounds = array<i64: 2, 16>, scalar_prefetch = 0 : i64, scratch_operands = 3 : i64, tpu.core_type = #tpu.core_type<sc_vector_subcore>, window_params = [{transform_indices = #map}, {transform_indices = #map}, {transform_indices = #map}]} {
    %mul3A = arith.constant 2 : i32
    %mul3A_0 = arith.muli %arg1, %mul3A : i32
    %add3A = arith.addi %mul3A_0, %arg0 : i32
    %mul3A_1 = arith.constant 1024 : i32
    %mul3A_2 = arith.muli %add3A, %mul3A_1 : i32
    "tpu.region"() ({
      %run_scoped3A = tpu.sem_alloc : memref<!tpu.dma_semaphore, #tpu.memory_space<semaphore_mem>>
      tpu.enqueue_dma source(%arg2 : memref<32768xf32, #tpu.memory_space<hbm>>) target(%arg5 : memref<32768xf32, #tpu.memory_space<vmem>>) target_semaphore(%run_scoped3A : memref<!tpu.dma_semaphore, #tpu.memory_space<semaphore_mem>>)
      tpu.wait_dma2 semaphore(%run_scoped3A : memref<!tpu.dma_semaphore, #tpu.memory_space<semaphore_mem>>) src(%arg2 : memref<32768xf32, #tpu.memory_space<hbm>>) dst(%arg5 : memref<32768xf32, #tpu.memory_space<vmem>>)
      tpu.yield
    }) : () -> ()
    "tpu.region"() ({
      %run_scoped3A = tpu.sem_alloc : memref<!tpu.dma_semaphore, #tpu.memory_space<semaphore_mem>>
      %dma_start3A = tpu.memref_slice %arg3[%mul3A_2] : memref<32768xi32, #tpu.memory_space<hbm>> -> memref<1024xi32, #tpu.memory_space<hbm>>
      %dma_start3A_320 = tpu.memref_slice %arg3[%mul3A_2] : memref<32768xi32, #tpu.memory_space<hbm>> -> memref<1024xi32, #tpu.memory_space<hbm>>
      tpu.enqueue_dma source(%dma_start3A_320 : memref<1024xi32, #tpu.memory_space<hbm>>) target(%arg6 : memref<1024xi32, #tpu.memory_space<vmem>>) target_semaphore(%run_scoped3A : memref<!tpu.dma_semaphore, #tpu.memory_space<semaphore_mem>>)
      %dma_wait3A = tpu.memref_slice %arg3[%mul3A_2] : memref<32768xi32, #tpu.memory_space<hbm>> -> memref<1024xi32, #tpu.memory_space<hbm>>
      %dma_wait3A_321 = tpu.memref_slice %arg3[%mul3A_2] : memref<32768xi32, #tpu.memory_space<hbm>> -> memref<1024xi32, #tpu.memory_space<hbm>>
      tpu.wait_dma2 semaphore(%run_scoped3A : memref<!tpu.dma_semaphore, #tpu.memory_space<semaphore_mem>>) src(%dma_wait3A_321 : memref<1024xi32, #tpu.memory_space<hbm>>) dst(%arg6 : memref<1024xi32, #tpu.memory_space<vmem>>)
      tpu.yield
    }) : () -> ()
    %get3A = arith.constant 0 : index
    %get3A_3 = tpu.vector_load %arg6[%get3A] {strides = array<i32>} : memref<1024xi32, #tpu.memory_space<vmem>>, vector<16xi32>,
    %gather3A = tpu.vector_load_idx %arg5[%get3A_3] : memref<32768xf32, #tpu.memory_space<vmem>>[vector<16xi32>], vector<16xf32>,
    %swap3A = arith.constant 0 : index
    %swap3A_4 = tpu.vector_load %arg7[%swap3A] {strides = array<i32>} : memref<1024xf32, #tpu.memory_space<vmem>>, vector<16xf32>,
    tpu.vector_store %arg7[%swap3A], %gather3A {strides = array<i32>} : memref<1024xf32, #tpu.memory_space<vmem>>, vector<16xf32>,
    %get3A_5 = arith.constant 16 : index
    %get3A_6 = tpu.vector_load %arg6[%get3A_5] {strides = array<i32>} : memref<1024xi32, #tpu.memory_space<vmem>>, vector<16xi32>,
    %gather3A_7 = tpu.vector_load_idx %arg5[%get3A_6] : memref<32768xf32, #tpu.memory_space<vmem>>[vector<16xi32>], vector<16xf32>,
    %swap3A_8 = arith.constant 16 : index
    %swap3A_9 = tpu.vector_load %arg7[%swap3A_8] {strides = array<i32>} : memref<1024xf32, #tpu.memory_space<vmem>>, vector<16xf32>,
    tpu.vector_store %arg7[%swap3A_8], %gather3A_7 {strides = array<i32>} : memref<1024xf32, #tpu.memory_space<vmem>>, vector<16xf32>,
    %get3A_10 = arith.constant 32 : index
    %get3A_11 = tpu.vector_load %arg6[%get3A_10] {strides = array<i32>} : memref<1024xi32, #tpu.memory_space<vmem>>, vector<16xi32>,
    %gather3A_12 = tpu.vector_load_idx %arg5[%get3A_11] : memref<32768xf32, #tpu.memory_space<vmem>>[vector<16xi32>], vector<16xf32>,
    %swap3A_13 = arith.constant 32 : index
    %swap3A_14 = tpu.vector_load %arg7[%swap3A_13] {strides = array<i32>} : memref<1024xf32, #tpu.memory_space<vmem>>, vector<16xf32>,
    tpu.vector_store %arg7[%swap3A_13], %gather3A_12 {strides = array<i32>} : memref<1024xf32, #tpu.memory_space<vmem>>, vector<16xf32>,
    %get3A_15 = arith.constant 48 : index
    %get3A_16 = tpu.vector_load %arg6[%get3A_15] {strides = array<i32>} : memref<1024xi32, #tpu.memory_space<vmem>>, vector<16xi32>,
    %gather3A_17 = tpu.vector_load_idx %arg5[%get3A_16] : memref<32768xf32, #tpu.memory_space<vmem>>[vector<16xi32>], vector<16xf32>,
    %swap3A_18 = arith.constant 48 : index
    %swap3A_19 = tpu.vector_load %arg7[%swap3A_18] {strides = array<i32>} : memref<1024xf32, #tpu.memory_space<vmem>>, vector<16xf32>,
    tpu.vector_store %arg7[%swap3A_18], %gather3A_17 {strides = array<i32>} : memref<1024xf32, #tpu.memory_space<vmem>>, vector<16xf32>,
    %get3A_20 = arith.constant 64 : index
    %get3A_21 = tpu.vector_load %arg6[%get3A_20] {strides = array<i32>} : memref<1024xi32, #tpu.memory_space<vmem>>, vector<16xi32>,
    %gather3A_22 = tpu.vector_load_idx %arg5[%get3A_21] : memref<32768xf32, #tpu.memory_space<vmem>>[vector<16xi32>], vector<16xf32>,
    %swap3A_23 = arith.constant 64 : index
    %swap3A_24 = tpu.vector_load %arg7[%swap3A_23] {strides = array<i32>} : memref<1024xf32, #tpu.memory_space<vmem>>, vector<16xf32>,
    tpu.vector_store %arg7[%swap3A_23], %gather3A_22 {strides = array<i32>} : memref<1024xf32, #tpu.memory_space<vmem>>, vector<16xf32>,
    %get3A_25 = arith.constant 80 : index
    %get3A_26 = tpu.vector_load %arg6[%get3A_25] {strides = array<i32>} : memref<1024xi32, #tpu.memory_space<vmem>>, vector<16xi32>,
    %gather3A_27 = tpu.vector_load_idx %arg5[%get3A_26] : memref<32768xf32, #tpu.memory_space<vmem>>[vector<16xi32>], vector<16xf32>,
    %swap3A_28 = arith.constant 80 : index
    %swap3A_29 = tpu.vector_load %arg7[%swap3A_28] {strides = array<i32>} : memref<1024xf32, #tpu.memory_space<vmem>>, vector<16xf32>,
    tpu.vector_store %arg7[%swap3A_28], %gather3A_27 {strides = array<i32>} : memref<1024xf32, #tpu.memory_space<vmem>>, vector<16xf32>,
    %get3A_30 = arith.constant 96 : index
    %get3A_31 = tpu.vector_load %arg6[%get3A_30] {strides = array<i32>} : memref<1024xi32, #tpu.memory_space<vmem>>, vector<16xi32>,
    %gather3A_32 = tpu.vector_load_idx %arg5[%get3A_31] : memref<32768xf32, #tpu.memory_space<vmem>>[vector<16xi32>], vector<16xf32>,
    %swap3A_33 = arith.constant 96 : index
    %swap3A_34 = tpu.vector_load %arg7[%swap3A_33] {strides = array<i32>} : memref<1024xf32, #tpu.memory_space<vmem>>, vector<16xf32>,
    tpu.vector_store %arg7[%swap3A_33], %gather3A_32 {strides = array<i32>} : memref<1024xf32, #tpu.memory_space<vmem>>, vector<16xf32>,
    %get3A_35 = arith.constant 112 : index
    %get3A_36 = tpu.vector_load %arg6[%get3A_35] {strides = array<i32>} : memref<1024xi32, #tpu.memory_space<vmem>>, vector<16xi32>,
    %gather3A_37 = tpu.vector_load_idx %arg5[%get3A_36] : memref<32768xf32, #tpu.memory_space<vmem>>[vector<16xi32>], vector<16xf32>,
    %swap3A_38 = arith.constant 112 : index
    %swap3A_39 = tpu.vector_load %arg7[%swap3A_38] {strides = array<i32>} : memref<1024xf32, #tpu.memory_space<vmem>>, vector<16xf32>,
    tpu.vector_store %arg7[%swap3A_38], %gather3A_37 {strides = array<i32>} : memref<1024xf32, #tpu.memory_space<vmem>>, vector<16xf32>,
    %get3A_40 = arith.constant 128 : index
    %get3A_41 = tpu.vector_load %arg6[%get3A_40] {strides = array<i32>} : memref<1024xi32, #tpu.memory_space<vmem>>, vector<16xi32>,
    %gather3A_42 = tpu.vector_load_idx %arg5[%get3A_41] : memref<32768xf32, #tpu.memory_space<vmem>>[vector<16xi32>], vector<16xf32>,
    %swap3A_43 = arith.constant 128 : index
    %swap3A_44 = tpu.vector_load %arg7[%swap3A_43] {strides = array<i32>} : memref<1024xf32, #tpu.memory_space<vmem>>, vector<16xf32>,
    tpu.vector_store %arg7[%swap3A_43], %gather3A_42 {strides = array<i32>} : memref<1024xf32, #tpu.memory_space<vmem>>, vector<16xf32>,
    %get3A_45 = arith.constant 144 : index
    %get3A_46 = tpu.vector_load %arg6[%get3A_45] {strides = array<i32>} : memref<1024xi32, #tpu.memory_space<vmem>>, vector<16xi32>,
    %gather3A_47 = tpu.vector_load_idx %arg5[%get3A_46] : memref<32768xf32, #tpu.memory_space<vmem>>[vector<16xi32>], vector<16xf32>,
    %swap3A_48 = arith.constant 144 : index
    %swap3A_49 = tpu.vector_load %arg7[%swap3A_48] {strides = array<i32>} : memref<1024xf32, #tpu.memory_space<vmem>>, vector<16xf32>,
    tpu.vector_store %arg7[%swap3A_48], %gather3A_47 {strides = array<i32>} : memref<1024xf32, #tpu.memory_space<vmem>>, vector<16xf32>,
    %get3A_50 = arith.constant 160 : index
    %get3A_51 = tpu.vector_load %arg6[%get3A_50] {strides = array<i32>} : memref<1024xi32, #tpu.memory_space<vmem>>, vector<16xi32>,
    %gather3A_52 = tpu.vector_load_idx %arg5[%get3A_51] : memref<32768xf32, #tpu.memory_space<vmem>>[vector<16xi32>], vector<16xf32>,
    %swap3A_53 = arith.constant 160 : index
    %swap3A_54 = tpu.vector_load %arg7[%swap3A_53] {strides = array<i32>} : memref<1024xf32, #tpu.memory_space<vmem>>, vector<16xf32>,
    tpu.vector_store %arg7[%swap3A_53], %gather3A_52 {strides = array<i32>} : memref<1024xf32, #tpu.memory_space<vmem>>, vector<16xf32>,
    %get3A_55 = arith.constant 176 : index
    %get3A_56 = tpu.vector_load %arg6[%get3A_55] {strides = array<i32>} : memref<1024xi32, #tpu.memory_space<vmem>>, vector<16xi32>,
    %gather3A_57 = tpu.vector_load_idx %arg5[%get3A_56] : memref<32768xf32, #tpu.memory_space<vmem>>[vector<16xi32>], vector<16xf32>,
    %swap3A_58 = arith.constant 176 : index
    %swap3A_59 = tpu.vector_load %arg7[%swap3A_58] {strides = array<i32>} : memref<1024xf32, #tpu.memory_space<vmem>>, vector<16xf32>,
    tpu.vector_store %arg7[%swap3A_58], %gather3A_57 {strides = array<i32>} : memref<1024xf32, #tpu.memory_space<vmem>>, vector<16xf32>,
    %get3A_60 = arith.constant 192 : index
    %get3A_61 = tpu.vector_load %arg6[%get3A_60] {strides = array<i32>} : memref<1024xi32, #tpu.memory_space<vmem>>, vector<16xi32>,
    %gather3A_62 = tpu.vector_load_idx %arg5[%get3A_61] : memref<32768xf32, #tpu.memory_space<vmem>>[vector<16xi32>], vector<16xf32>,
    %swap3A_63 = arith.constant 192 : index
    %swap3A_64 = tpu.vector_load %arg7[%swap3A_63] {strides = array<i32>} : memref<1024xf32, #tpu.memory_space<vmem>>, vector<16xf32>,
    tpu.vector_store %arg7[%swap3A_63], %gather3A_62 {strides = array<i32>} : memref<1024xf32, #tpu.memory_space<vmem>>, vector<16xf32>,
    %get3A_65 = arith.constant 208 : index
    %get3A_66 = tpu.vector_load %arg6[%get3A_65] {strides = array<i32>} : memref<1024xi32, #tpu.memory_space<vmem>>, vector<16xi32>,
    %gather3A_67 = tpu.vector_load_idx %arg5[%get3A_66] : memref<32768xf32, #tpu.memory_space<vmem>>[vector<16xi32>], vector<16xf32>,
    %swap3A_68 = arith.constant 208 : index
    %swap3A_69 = tpu.vector_load %arg7[%swap3A_68] {strides = array<i32>} : memref<1024xf32, #tpu.memory_space<vmem>>, vector<16xf32>,
    tpu.vector_store %arg7[%swap3A_68], %gather3A_67 {strides = array<i32>} : memref<1024xf32, #tpu.memory_space<vmem>>, vector<16xf32>,
    %get3A_70 = arith.constant 224 : index
    %get3A_71 = tpu.vector_load %arg6[%get3A_70] {strides = array<i32>} : memref<1024xi32, #tpu.memory_space<vmem>>, vector<16xi32>,
    %gather3A_72 = tpu.vector_load_idx %arg5[%get3A_71] : memref<32768xf32, #tpu.memory_space<vmem>>[vector<16xi32>], vector<16xf32>,
    %swap3A_73 = arith.constant 224 : index
    %swap3A_74 = tpu.vector_load %arg7[%swap3A_73] {strides = array<i32>} : memref<1024xf32, #tpu.memory_space<vmem>>, vector<16xf32>,
    tpu.vector_store %arg7[%swap3A_73], %gather3A_72 {strides = array<i32>} : memref<1024xf32, #tpu.memory_space<vmem>>, vector<16xf32>,
    %get3A_75 = arith.constant 240 : index
    %get3A_76 = tpu.vector_load %arg6[%get3A_75] {strides = array<i32>} : memref<1024xi32, #tpu.memory_space<vmem>>, vector<16xi32>,
    %gather3A_77 = tpu.vector_load_idx %arg5[%get3A_76] : memref<32768xf32, #tpu.memory_space<vmem>>[vector<16xi32>], vector<16xf32>,
    %swap3A_78 = arith.constant 240 : index
    %swap3A_79 = tpu.vector_load %arg7[%swap3A_78] {strides = array<i32>} : memref<1024xf32, #tpu.memory_space<vmem>>, vector<16xf32>,
    tpu.vector_store %arg7[%swap3A_78], %gather3A_77 {strides = array<i32>} : memref<1024xf32, #tpu.memory_space<vmem>>, vector<16xf32>,
    %get3A_80 = arith.constant 256 : index
    %get3A_81 = tpu.vector_load %arg6[%get3A_80] {strides = array<i32>} : memref<1024xi32, #tpu.memory_space<vmem>>, vector<16xi32>,
    %gather3A_82 = tpu.vector_load_idx %arg5[%get3A_81] : memref<32768xf32, #tpu.memory_space<vmem>>[vector<16xi32>], vector<16xf32>,
    %swap3A_83 = arith.constant 256 : index
    %swap3A_84 = tpu.vector_load %arg7[%swap3A_83] {strides = array<i32>} : memref<1024xf32, #tpu.memory_space<vmem>>, vector<16xf32>,
    tpu.vector_store %arg7[%swap3A_83], %gather3A_82 {strides = array<i32>} : memref<1024xf32, #tpu.memory_space<vmem>>, vector<16xf32>,
    %get3A_85 = arith.constant 272 : index
    %get3A_86 = tpu.vector_load %arg6[%get3A_85] {strides = array<i32>} : memref<1024xi32, #tpu.memory_space<vmem>>, vector<16xi32>,
    %gather3A_87 = tpu.vector_load_idx %arg5[%get3A_86] : memref<32768xf32, #tpu.memory_space<vmem>>[vector<16xi32>], vector<16xf32>,
    %swap3A_88 = arith.constant 272 : index
    %swap3A_89 = tpu.vector_load %arg7[%swap3A_88] {strides = array<i32>} : memref<1024xf32, #tpu.memory_space<vmem>>, vector<16xf32>,
    tpu.vector_store %arg7[%swap3A_88], %gather3A_87 {strides = array<i32>} : memref<1024xf32, #tpu.memory_space<vmem>>, vector<16xf32>,
    %get3A_90 = arith.constant 288 : index
    %get3A_91 = tpu.vector_load %arg6[%get3A_90] {strides = array<i32>} : memref<1024xi32, #tpu.memory_space<vmem>>, vector<16xi32>,
    %gather3A_92 = tpu.vector_load_idx %arg5[%get3A_91] : memref<32768xf32, #tpu.memory_space<vmem>>[vector<16xi32>], vector<16xf32>,
    %swap3A_93 = arith.constant 288 : index
    %swap3A_94 = tpu.vector_load %arg7[%swap3A_93] {strides = array<i32>} : memref<1024xf32, #tpu.memory_space<vmem>>, vector<16xf32>,
    tpu.vector_store %arg7[%swap3A_93], %gather3A_92 {strides = array<i32>} : memref<1024xf32, #tpu.memory_space<vmem>>, vector<16xf32>,
    %get3A_95 = arith.constant 304 : index
    %get3A_96 = tpu.vector_load %arg6[%get3A_95] {strides = array<i32>} : memref<1024xi32, #tpu.memory_space<vmem>>, vector<16xi32>,
    %gather3A_97 = tpu.vector_load_idx %arg5[%get3A_96] : memref<32768xf32, #tpu.memory_space<vmem>>[vector<16xi32>], vector<16xf32>,
    %swap3A_98 = arith.constant 304 : index
    %swap3A_99 = tpu.vector_load %arg7[%swap3A_98] {strides = array<i32>} : memref<1024xf32, #tpu.memory_space<vmem>>, vector<16xf32>,
    tpu.vector_store %arg7[%swap3A_98], %gather3A_97 {strides = array<i32>} : memref<1024xf32, #tpu.memory_space<vmem>>, vector<16xf32>,
    %get3A_100 = arith.constant 320 : index
    %get3A_101 = tpu.vector_load %arg6[%get3A_100] {strides = array<i32>} : memref<1024xi32, #tpu.memory_space<vmem>>, vector<16xi32>,
    %gather3A_102 = tpu.vector_load_idx %arg5[%get3A_101] : memref<32768xf32, #tpu.memory_space<vmem>>[vector<16xi32>], vector<16xf32>,
    %swap3A_103 = arith.constant 320 : index
    %swap3A_104 = tpu.vector_load %arg7[%swap3A_103] {strides = array<i32>} : memref<1024xf32, #tpu.memory_space<vmem>>, vector<16xf32>,
    tpu.vector_store %arg7[%swap3A_103], %gather3A_102 {strides = array<i32>} : memref<1024xf32, #tpu.memory_space<vmem>>, vector<16xf32>,
    %get3A_105 = arith.constant 336 : index
    %get3A_106 = tpu.vector_load %arg6[%get3A_105] {strides = array<i32>} : memref<1024xi32, #tpu.memory_space<vmem>>, vector<16xi32>,
    %gather3A_107 = tpu.vector_load_idx %arg5[%get3A_106] : memref<32768xf32, #tpu.memory_space<vmem>>[vector<16xi32>], vector<16xf32>,
    %swap3A_108 = arith.constant 336 : index
    %swap3A_109 = tpu.vector_load %arg7[%swap3A_108] {strides = array<i32>} : memref<1024xf32, #tpu.memory_space<vmem>>, vector<16xf32>,
    tpu.vector_store %arg7[%swap3A_108], %gather3A_107 {strides = array<i32>} : memref<1024xf32, #tpu.memory_space<vmem>>, vector<16xf32>,
    %get3A_110 = arith.constant 352 : index
    %get3A_111 = tpu.vector_load %arg6[%get3A_110] {strides = array<i32>} : memref<1024xi32, #tpu.memory_space<vmem>>, vector<16xi32>,
    %gather3A_112 = tpu.vector_load_idx %arg5[%get3A_111] : memref<32768xf32, #tpu.memory_space<vmem>>[vector<16xi32>], vector<16xf32>,
    %swap3A_113 = arith.constant 352 : index
    %swap3A_114 = tpu.vector_load %arg7[%swap3A_113] {strides = array<i32>} : memref<1024xf32, #tpu.memory_space<vmem>>, vector<16xf32>,
    tpu.vector_store %arg7[%swap3A_113], %gather3A_112 {strides = array<i32>} : memref<1024xf32, #tpu.memory_space<vmem>>, vector<16xf32>,
    %get3A_115 = arith.constant 368 : index
    %get3A_116 = tpu.vector_load %arg6[%get3A_115] {strides = array<i32>} : memref<1024xi32, #tpu.memory_space<vmem>>, vector<16xi32>,
    %gather3A_117 = tpu.vector_load_idx %arg5[%get3A_116] : memref<32768xf32, #tpu.memory_space<vmem>>[vector<16xi32>], vector<16xf32>,
    %swap3A_118 = arith.constant 368 : index
    %swap3A_119 = tpu.vector_load %arg7[%swap3A_118] {strides = array<i32>} : memref<1024xf32, #tpu.memory_space<vmem>>, vector<16xf32>,
    tpu.vector_store %arg7[%swap3A_118], %gather3A_117 {strides = array<i32>} : memref<1024xf32, #tpu.memory_space<vmem>>, vector<16xf32>,
    %get3A_120 = arith.constant 384 : index
    %get3A_121 = tpu.vector_load %arg6[%get3A_120] {strides = array<i32>} : memref<1024xi32, #tpu.memory_space<vmem>>, vector<16xi32>,
    %gather3A_122 = tpu.vector_load_idx %arg5[%get3A_121] : memref<32768xf32, #tpu.memory_space<vmem>>[vector<16xi32>], vector<16xf32>,
    %swap3A_123 = arith.constant 384 : index
    %swap3A_124 = tpu.vector_load %arg7[%swap3A_123] {strides = array<i32>} : memref<1024xf32, #tpu.memory_space<vmem>>, vector<16xf32>,
    tpu.vector_store %arg7[%swap3A_123], %gather3A_122 {strides = array<i32>} : memref<1024xf32, #tpu.memory_space<vmem>>, vector<16xf32>,
    %get3A_125 = arith.constant 400 : index
    %get3A_126 = tpu.vector_load %arg6[%get3A_125] {strides = array<i32>} : memref<1024xi32, #tpu.memory_space<vmem>>, vector<16xi32>,
    %gather3A_127 = tpu.vector_load_idx %arg5[%get3A_126] : memref<32768xf32, #tpu.memory_space<vmem>>[vector<16xi32>], vector<16xf32>,
    %swap3A_128 = arith.constant 400 : index
    %swap3A_129 = tpu.vector_load %arg7[%swap3A_128] {strides = array<i32>} : memref<1024xf32, #tpu.memory_space<vmem>>, vector<16xf32>,
    tpu.vector_store %arg7[%swap3A_128], %gather3A_127 {strides = array<i32>} : memref<1024xf32, #tpu.memory_space<vmem>>, vector<16xf32>,
    %get3A_130 = arith.constant 416 : index
    %get3A_131 = tpu.vector_load %arg6[%get3A_130] {strides = array<i32>} : memref<1024xi32, #tpu.memory_space<vmem>>, vector<16xi32>,
    %gather3A_132 = tpu.vector_load_idx %arg5[%get3A_131] : memref<32768xf32, #tpu.memory_space<vmem>>[vector<16xi32>], vector<16xf32>,
    %swap3A_133 = arith.constant 416 : index
    %swap3A_134 = tpu.vector_load %arg7[%swap3A_133] {strides = array<i32>} : memref<1024xf32, #tpu.memory_space<vmem>>, vector<16xf32>,
    tpu.vector_store %arg7[%swap3A_133], %gather3A_132 {strides = array<i32>} : memref<1024xf32, #tpu.memory_space<vmem>>, vector<16xf32>,
    %get3A_135 = arith.constant 432 : index
    %get3A_136 = tpu.vector_load %arg6[%get3A_135] {strides = array<i32>} : memref<1024xi32, #tpu.memory_space<vmem>>, vector<16xi32>,
    %gather3A_137 = tpu.vector_load_idx %arg5[%get3A_136] : memref<32768xf32, #tpu.memory_space<vmem>>[vector<16xi32>], vector<16xf32>,
    %swap3A_138 = arith.constant 432 : index
    %swap3A_139 = tpu.vector_load %arg7[%swap3A_138] {strides = array<i32>} : memref<1024xf32, #tpu.memory_space<vmem>>, vector<16xf32>,
    tpu.vector_store %arg7[%swap3A_138], %gather3A_137 {strides = array<i32>} : memref<1024xf32, #tpu.memory_space<vmem>>, vector<16xf32>,
    %get3A_140 = arith.constant 448 : index
    %get3A_141 = tpu.vector_load %arg6[%get3A_140] {strides = array<i32>} : memref<1024xi32, #tpu.memory_space<vmem>>, vector<16xi32>,
    %gather3A_142 = tpu.vector_load_idx %arg5[%get3A_141] : memref<32768xf32, #tpu.memory_space<vmem>>[vector<16xi32>], vector<16xf32>,
    %swap3A_143 = arith.constant 448 : index
    %swap3A_144 = tpu.vector_load %arg7[%swap3A_143] {strides = array<i32>} : memref<1024xf32, #tpu.memory_space<vmem>>, vector<16xf32>,
    tpu.vector_store %arg7[%swap3A_143], %gather3A_142 {strides = array<i32>} : memref<1024xf32, #tpu.memory_space<vmem>>, vector<16xf32>,
    %get3A_145 = arith.constant 464 : index
    %get3A_146 = tpu.vector_load %arg6[%get3A_145] {strides = array<i32>} : memref<1024xi32, #tpu.memory_space<vmem>>, vector<16xi32>,
    %gather3A_147 = tpu.vector_load_idx %arg5[%get3A_146] : memref<32768xf32, #tpu.memory_space<vmem>>[vector<16xi32>], vector<16xf32>,
    %swap3A_148 = arith.constant 464 : index
    %swap3A_149 = tpu.vector_load %arg7[%swap3A_148] {strides = array<i32>} : memref<1024xf32, #tpu.memory_space<vmem>>, vector<16xf32>,
    tpu.vector_store %arg7[%swap3A_148], %gather3A_147 {strides = array<i32>} : memref<1024xf32, #tpu.memory_space<vmem>>, vector<16xf32>,
    %get3A_150 = arith.constant 480 : index
    %get3A_151 = tpu.vector_load %arg6[%get3A_150] {strides = array<i32>} : memref<1024xi32, #tpu.memory_space<vmem>>, vector<16xi32>,
    %gather3A_152 = tpu.vector_load_idx %arg5[%get3A_151] : memref<32768xf32, #tpu.memory_space<vmem>>[vector<16xi32>], vector<16xf32>,
    %swap3A_153 = arith.constant 480 : index
    %swap3A_154 = tpu.vector_load %arg7[%swap3A_153] {strides = array<i32>} : memref<1024xf32, #tpu.memory_space<vmem>>, vector<16xf32>,
    tpu.vector_store %arg7[%swap3A_153], %gather3A_152 {strides = array<i32>} : memref<1024xf32, #tpu.memory_space<vmem>>, vector<16xf32>,
    %get3A_155 = arith.constant 496 : index
    %get3A_156 = tpu.vector_load %arg6[%get3A_155] {strides = array<i32>} : memref<1024xi32, #tpu.memory_space<vmem>>, vector<16xi32>,
    %gather3A_157 = tpu.vector_load_idx %arg5[%get3A_156] : memref<32768xf32, #tpu.memory_space<vmem>>[vector<16xi32>], vector<16xf32>,
    %swap3A_158 = arith.constant 496 : index
    %swap3A_159 = tpu.vector_load %arg7[%swap3A_158] {strides = array<i32>} : memref<1024xf32, #tpu.memory_space<vmem>>, vector<16xf32>,
    tpu.vector_store %arg7[%swap3A_158], %gather3A_157 {strides = array<i32>} : memref<1024xf32, #tpu.memory_space<vmem>>, vector<16xf32>,
    %get3A_160 = arith.constant 512 : index
    %get3A_161 = tpu.vector_load %arg6[%get3A_160] {strides = array<i32>} : memref<1024xi32, #tpu.memory_space<vmem>>, vector<16xi32>,
    %gather3A_162 = tpu.vector_load_idx %arg5[%get3A_161] : memref<32768xf32, #tpu.memory_space<vmem>>[vector<16xi32>], vector<16xf32>,
    %swap3A_163 = arith.constant 512 : index
    %swap3A_164 = tpu.vector_load %arg7[%swap3A_163] {strides = array<i32>} : memref<1024xf32, #tpu.memory_space<vmem>>, vector<16xf32>,
    tpu.vector_store %arg7[%swap3A_163], %gather3A_162 {strides = array<i32>} : memref<1024xf32, #tpu.memory_space<vmem>>, vector<16xf32>,
    %get3A_165 = arith.constant 528 : index
    %get3A_166 = tpu.vector_load %arg6[%get3A_165] {strides = array<i32>} : memref<1024xi32, #tpu.memory_space<vmem>>, vector<16xi32>,
    %gather3A_167 = tpu.vector_load_idx %arg5[%get3A_166] : memref<32768xf32, #tpu.memory_space<vmem>>[vector<16xi32>], vector<16xf32>,
    %swap3A_168 = arith.constant 528 : index
    %swap3A_169 = tpu.vector_load %arg7[%swap3A_168] {strides = array<i32>} : memref<1024xf32, #tpu.memory_space<vmem>>, vector<16xf32>,
    tpu.vector_store %arg7[%swap3A_168], %gather3A_167 {strides = array<i32>} : memref<1024xf32, #tpu.memory_space<vmem>>, vector<16xf32>,
    %get3A_170 = arith.constant 544 : index
    %get3A_171 = tpu.vector_load %arg6[%get3A_170] {strides = array<i32>} : memref<1024xi32, #tpu.memory_space<vmem>>, vector<16xi32>,
    %gather3A_172 = tpu.vector_load_idx %arg5[%get3A_171] : memref<32768xf32, #tpu.memory_space<vmem>>[vector<16xi32>], vector<16xf32>,
    %swap3A_173 = arith.constant 544 : index
    %swap3A_174 = tpu.vector_load %arg7[%swap3A_173] {strides = array<i32>} : memref<1024xf32, #tpu.memory_space<vmem>>, vector<16xf32>,
    tpu.vector_store %arg7[%swap3A_173], %gather3A_172 {strides = array<i32>} : memref<1024xf32, #tpu.memory_space<vmem>>, vector<16xf32>,
    %get3A_175 = arith.constant 560 : index
    %get3A_176 = tpu.vector_load %arg6[%get3A_175] {strides = array<i32>} : memref<1024xi32, #tpu.memory_space<vmem>>, vector<16xi32>,
    %gather3A_177 = tpu.vector_load_idx %arg5[%get3A_176] : memref<32768xf32, #tpu.memory_space<vmem>>[vector<16xi32>], vector<16xf32>,
    %swap3A_178 = arith.constant 560 : index
    %swap3A_179 = tpu.vector_load %arg7[%swap3A_178] {strides = array<i32>} : memref<1024xf32, #tpu.memory_space<vmem>>, vector<16xf32>,
    tpu.vector_store %arg7[%swap3A_178], %gather3A_177 {strides = array<i32>} : memref<1024xf32, #tpu.memory_space<vmem>>, vector<16xf32>,
    %get3A_180 = arith.constant 576 : index
    %get3A_181 = tpu.vector_load %arg6[%get3A_180] {strides = array<i32>} : memref<1024xi32, #tpu.memory_space<vmem>>, vector<16xi32>,
    %gather3A_182 = tpu.vector_load_idx %arg5[%get3A_181] : memref<32768xf32, #tpu.memory_space<vmem>>[vector<16xi32>], vector<16xf32>,
    %swap3A_183 = arith.constant 576 : index
    %swap3A_184 = tpu.vector_load %arg7[%swap3A_183] {strides = array<i32>} : memref<1024xf32, #tpu.memory_space<vmem>>, vector<16xf32>,
    tpu.vector_store %arg7[%swap3A_183], %gather3A_182 {strides = array<i32>} : memref<1024xf32, #tpu.memory_space<vmem>>, vector<16xf32>,
    %get3A_185 = arith.constant 592 : index
    %get3A_186 = tpu.vector_load %arg6[%get3A_185] {strides = array<i32>} : memref<1024xi32, #tpu.memory_space<vmem>>, vector<16xi32>,
    %gather3A_187 = tpu.vector_load_idx %arg5[%get3A_186] : memref<32768xf32, #tpu.memory_space<vmem>>[vector<16xi32>], vector<16xf32>,
    %swap3A_188 = arith.constant 592 : index
    %swap3A_189 = tpu.vector_load %arg7[%swap3A_188] {strides = array<i32>} : memref<1024xf32, #tpu.memory_space<vmem>>, vector<16xf32>,
    tpu.vector_store %arg7[%swap3A_188], %gather3A_187 {strides = array<i32>} : memref<1024xf32, #tpu.memory_space<vmem>>, vector<16xf32>,
    %get3A_190 = arith.constant 608 : index
    %get3A_191 = tpu.vector_load %arg6[%get3A_190] {strides = array<i32>} : memref<1024xi32, #tpu.memory_space<vmem>>, vector<16xi32>,
    %gather3A_192 = tpu.vector_load_idx %arg5[%get3A_191] : memref<32768xf32, #tpu.memory_space<vmem>>[vector<16xi32>], vector<16xf32>,
    %swap3A_193 = arith.constant 608 : index
    %swap3A_194 = tpu.vector_load %arg7[%swap3A_193] {strides = array<i32>} : memref<1024xf32, #tpu.memory_space<vmem>>, vector<16xf32>,
    tpu.vector_store %arg7[%swap3A_193], %gather3A_192 {strides = array<i32>} : memref<1024xf32, #tpu.memory_space<vmem>>, vector<16xf32>,
    %get3A_195 = arith.constant 624 : index
    %get3A_196 = tpu.vector_load %arg6[%get3A_195] {strides = array<i32>} : memref<1024xi32, #tpu.memory_space<vmem>>, vector<16xi32>,
    %gather3A_197 = tpu.vector_load_idx %arg5[%get3A_196] : memref<32768xf32, #tpu.memory_space<vmem>>[vector<16xi32>], vector<16xf32>,
    %swap3A_198 = arith.constant 624 : index
    %swap3A_199 = tpu.vector_load %arg7[%swap3A_198] {strides = array<i32>} : memref<1024xf32, #tpu.memory_space<vmem>>, vector<16xf32>,
    tpu.vector_store %arg7[%swap3A_198], %gather3A_197 {strides = array<i32>} : memref<1024xf32, #tpu.memory_space<vmem>>, vector<16xf32>,
    %get3A_200 = arith.constant 640 : index
    %get3A_201 = tpu.vector_load %arg6[%get3A_200] {strides = array<i32>} : memref<1024xi32, #tpu.memory_space<vmem>>, vector<16xi32>,
    %gather3A_202 = tpu.vector_load_idx %arg5[%get3A_201] : memref<32768xf32, #tpu.memory_space<vmem>>[vector<16xi32>], vector<16xf32>,
    %swap3A_203 = arith.constant 640 : index
    %swap3A_204 = tpu.vector_load %arg7[%swap3A_203] {strides = array<i32>} : memref<1024xf32, #tpu.memory_space<vmem>>, vector<16xf32>,
    tpu.vector_store %arg7[%swap3A_203], %gather3A_202 {strides = array<i32>} : memref<1024xf32, #tpu.memory_space<vmem>>, vector<16xf32>,
    %get3A_205 = arith.constant 656 : index
    %get3A_206 = tpu.vector_load %arg6[%get3A_205] {strides = array<i32>} : memref<1024xi32, #tpu.memory_space<vmem>>, vector<16xi32>,
    %gather3A_207 = tpu.vector_load_idx %arg5[%get3A_206] : memref<32768xf32, #tpu.memory_space<vmem>>[vector<16xi32>], vector<16xf32>,
    %swap3A_208 = arith.constant 656 : index
    %swap3A_209 = tpu.vector_load %arg7[%swap3A_208] {strides = array<i32>} : memref<1024xf32, #tpu.memory_space<vmem>>, vector<16xf32>,
    tpu.vector_store %arg7[%swap3A_208], %gather3A_207 {strides = array<i32>} : memref<1024xf32, #tpu.memory_space<vmem>>, vector<16xf32>,
    %get3A_210 = arith.constant 672 : index
    %get3A_211 = tpu.vector_load %arg6[%get3A_210] {strides = array<i32>} : memref<1024xi32, #tpu.memory_space<vmem>>, vector<16xi32>,
    %gather3A_212 = tpu.vector_load_idx %arg5[%get3A_211] : memref<32768xf32, #tpu.memory_space<vmem>>[vector<16xi32>], vector<16xf32>,
    %swap3A_213 = arith.constant 672 : index
    %swap3A_214 = tpu.vector_load %arg7[%swap3A_213] {strides = array<i32>} : memref<1024xf32, #tpu.memory_space<vmem>>, vector<16xf32>,
    tpu.vector_store %arg7[%swap3A_213], %gather3A_212 {strides = array<i32>} : memref<1024xf32, #tpu.memory_space<vmem>>, vector<16xf32>,
    %get3A_215 = arith.constant 688 : index
    %get3A_216 = tpu.vector_load %arg6[%get3A_215] {strides = array<i32>} : memref<1024xi32, #tpu.memory_space<vmem>>, vector<16xi32>,
    %gather3A_217 = tpu.vector_load_idx %arg5[%get3A_216] : memref<32768xf32, #tpu.memory_space<vmem>>[vector<16xi32>], vector<16xf32>,
    %swap3A_218 = arith.constant 688 : index
    %swap3A_219 = tpu.vector_load %arg7[%swap3A_218] {strides = array<i32>} : memref<1024xf32, #tpu.memory_space<vmem>>, vector<16xf32>,
    tpu.vector_store %arg7[%swap3A_218], %gather3A_217 {strides = array<i32>} : memref<1024xf32, #tpu.memory_space<vmem>>, vector<16xf32>,
    %get3A_220 = arith.constant 704 : index
    %get3A_221 = tpu.vector_load %arg6[%get3A_220] {strides = array<i32>} : memref<1024xi32, #tpu.memory_space<vmem>>, vector<16xi32>,
    %gather3A_222 = tpu.vector_load_idx %arg5[%get3A_221] : memref<32768xf32, #tpu.memory_space<vmem>>[vector<16xi32>], vector<16xf32>,
    %swap3A_223 = arith.constant 704 : index
    %swap3A_224 = tpu.vector_load %arg7[%swap3A_223] {strides = array<i32>} : memref<1024xf32, #tpu.memory_space<vmem>>, vector<16xf32>,
    tpu.vector_store %arg7[%swap3A_223], %gather3A_222 {strides = array<i32>} : memref<1024xf32, #tpu.memory_space<vmem>>, vector<16xf32>,
    %get3A_225 = arith.constant 720 : index
    %get3A_226 = tpu.vector_load %arg6[%get3A_225] {strides = array<i32>} : memref<1024xi32, #tpu.memory_space<vmem>>, vector<16xi32>,
    %gather3A_227 = tpu.vector_load_idx %arg5[%get3A_226] : memref<32768xf32, #tpu.memory_space<vmem>>[vector<16xi32>], vector<16xf32>,
    %swap3A_228 = arith.constant 720 : index
    %swap3A_229 = tpu.vector_load %arg7[%swap3A_228] {strides = array<i32>} : memref<1024xf32, #tpu.memory_space<vmem>>, vector<16xf32>,
    tpu.vector_store %arg7[%swap3A_228], %gather3A_227 {strides = array<i32>} : memref<1024xf32, #tpu.memory_space<vmem>>, vector<16xf32>,
    %get3A_230 = arith.constant 736 : index
    %get3A_231 = tpu.vector_load %arg6[%get3A_230] {strides = array<i32>} : memref<1024xi32, #tpu.memory_space<vmem>>, vector<16xi32>,
    %gather3A_232 = tpu.vector_load_idx %arg5[%get3A_231] : memref<32768xf32, #tpu.memory_space<vmem>>[vector<16xi32>], vector<16xf32>,
    %swap3A_233 = arith.constant 736 : index
    %swap3A_234 = tpu.vector_load %arg7[%swap3A_233] {strides = array<i32>} : memref<1024xf32, #tpu.memory_space<vmem>>, vector<16xf32>,
    tpu.vector_store %arg7[%swap3A_233], %gather3A_232 {strides = array<i32>} : memref<1024xf32, #tpu.memory_space<vmem>>, vector<16xf32>,
    %get3A_235 = arith.constant 752 : index
    %get3A_236 = tpu.vector_load %arg6[%get3A_235] {strides = array<i32>} : memref<1024xi32, #tpu.memory_space<vmem>>, vector<16xi32>,
    %gather3A_237 = tpu.vector_load_idx %arg5[%get3A_236] : memref<32768xf32, #tpu.memory_space<vmem>>[vector<16xi32>], vector<16xf32>,
    %swap3A_238 = arith.constant 752 : index
    %swap3A_239 = tpu.vector_load %arg7[%swap3A_238] {strides = array<i32>} : memref<1024xf32, #tpu.memory_space<vmem>>, vector<16xf32>,
    tpu.vector_store %arg7[%swap3A_238], %gather3A_237 {strides = array<i32>} : memref<1024xf32, #tpu.memory_space<vmem>>, vector<16xf32>,
    %get3A_240 = arith.constant 768 : index
    %get3A_241 = tpu.vector_load %arg6[%get3A_240] {strides = array<i32>} : memref<1024xi32, #tpu.memory_space<vmem>>, vector<16xi32>,
    %gather3A_242 = tpu.vector_load_idx %arg5[%get3A_241] : memref<32768xf32, #tpu.memory_space<vmem>>[vector<16xi32>], vector<16xf32>,
    %swap3A_243 = arith.constant 768 : index
    %swap3A_244 = tpu.vector_load %arg7[%swap3A_243] {strides = array<i32>} : memref<1024xf32, #tpu.memory_space<vmem>>, vector<16xf32>,
    tpu.vector_store %arg7[%swap3A_243], %gather3A_242 {strides = array<i32>} : memref<1024xf32, #tpu.memory_space<vmem>>, vector<16xf32>,
    %get3A_245 = arith.constant 784 : index
    %get3A_246 = tpu.vector_load %arg6[%get3A_245] {strides = array<i32>} : memref<1024xi32, #tpu.memory_space<vmem>>, vector<16xi32>,
    %gather3A_247 = tpu.vector_load_idx %arg5[%get3A_246] : memref<32768xf32, #tpu.memory_space<vmem>>[vector<16xi32>], vector<16xf32>,
    %swap3A_248 = arith.constant 784 : index
    %swap3A_249 = tpu.vector_load %arg7[%swap3A_248] {strides = array<i32>} : memref<1024xf32, #tpu.memory_space<vmem>>, vector<16xf32>,
    tpu.vector_store %arg7[%swap3A_248], %gather3A_247 {strides = array<i32>} : memref<1024xf32, #tpu.memory_space<vmem>>, vector<16xf32>,
    %get3A_250 = arith.constant 800 : index
    %get3A_251 = tpu.vector_load %arg6[%get3A_250] {strides = array<i32>} : memref<1024xi32, #tpu.memory_space<vmem>>, vector<16xi32>,
    %gather3A_252 = tpu.vector_load_idx %arg5[%get3A_251] : memref<32768xf32, #tpu.memory_space<vmem>>[vector<16xi32>], vector<16xf32>,
    %swap3A_253 = arith.constant 800 : index
    %swap3A_254 = tpu.vector_load %arg7[%swap3A_253] {strides = array<i32>} : memref<1024xf32, #tpu.memory_space<vmem>>, vector<16xf32>,
    tpu.vector_store %arg7[%swap3A_253], %gather3A_252 {strides = array<i32>} : memref<1024xf32, #tpu.memory_space<vmem>>, vector<16xf32>,
    %get3A_255 = arith.constant 816 : index
    %get3A_256 = tpu.vector_load %arg6[%get3A_255] {strides = array<i32>} : memref<1024xi32, #tpu.memory_space<vmem>>, vector<16xi32>,
    %gather3A_257 = tpu.vector_load_idx %arg5[%get3A_256] : memref<32768xf32, #tpu.memory_space<vmem>>[vector<16xi32>], vector<16xf32>,
    %swap3A_258 = arith.constant 816 : index
    %swap3A_259 = tpu.vector_load %arg7[%swap3A_258] {strides = array<i32>} : memref<1024xf32, #tpu.memory_space<vmem>>, vector<16xf32>,
    tpu.vector_store %arg7[%swap3A_258], %gather3A_257 {strides = array<i32>} : memref<1024xf32, #tpu.memory_space<vmem>>, vector<16xf32>,
    %get3A_260 = arith.constant 832 : index
    %get3A_261 = tpu.vector_load %arg6[%get3A_260] {strides = array<i32>} : memref<1024xi32, #tpu.memory_space<vmem>>, vector<16xi32>,
    %gather3A_262 = tpu.vector_load_idx %arg5[%get3A_261] : memref<32768xf32, #tpu.memory_space<vmem>>[vector<16xi32>], vector<16xf32>,
    %swap3A_263 = arith.constant 832 : index
    %swap3A_264 = tpu.vector_load %arg7[%swap3A_263] {strides = array<i32>} : memref<1024xf32, #tpu.memory_space<vmem>>, vector<16xf32>,
    tpu.vector_store %arg7[%swap3A_263], %gather3A_262 {strides = array<i32>} : memref<1024xf32, #tpu.memory_space<vmem>>, vector<16xf32>,
    %get3A_265 = arith.constant 848 : index
    %get3A_266 = tpu.vector_load %arg6[%get3A_265] {strides = array<i32>} : memref<1024xi32, #tpu.memory_space<vmem>>, vector<16xi32>,
    %gather3A_267 = tpu.vector_load_idx %arg5[%get3A_266] : memref<32768xf32, #tpu.memory_space<vmem>>[vector<16xi32>], vector<16xf32>,
    %swap3A_268 = arith.constant 848 : index
    %swap3A_269 = tpu.vector_load %arg7[%swap3A_268] {strides = array<i32>} : memref<1024xf32, #tpu.memory_space<vmem>>, vector<16xf32>,
    tpu.vector_store %arg7[%swap3A_268], %gather3A_267 {strides = array<i32>} : memref<1024xf32, #tpu.memory_space<vmem>>, vector<16xf32>,
    %get3A_270 = arith.constant 864 : index
    %get3A_271 = tpu.vector_load %arg6[%get3A_270] {strides = array<i32>} : memref<1024xi32, #tpu.memory_space<vmem>>, vector<16xi32>,
    %gather3A_272 = tpu.vector_load_idx %arg5[%get3A_271] : memref<32768xf32, #tpu.memory_space<vmem>>[vector<16xi32>], vector<16xf32>,
    %swap3A_273 = arith.constant 864 : index
    %swap3A_274 = tpu.vector_load %arg7[%swap3A_273] {strides = array<i32>} : memref<1024xf32, #tpu.memory_space<vmem>>, vector<16xf32>,
    tpu.vector_store %arg7[%swap3A_273], %gather3A_272 {strides = array<i32>} : memref<1024xf32, #tpu.memory_space<vmem>>, vector<16xf32>,
    %get3A_275 = arith.constant 880 : index
    %get3A_276 = tpu.vector_load %arg6[%get3A_275] {strides = array<i32>} : memref<1024xi32, #tpu.memory_space<vmem>>, vector<16xi32>,
    %gather3A_277 = tpu.vector_load_idx %arg5[%get3A_276] : memref<32768xf32, #tpu.memory_space<vmem>>[vector<16xi32>], vector<16xf32>,
    %swap3A_278 = arith.constant 880 : index
    %swap3A_279 = tpu.vector_load %arg7[%swap3A_278] {strides = array<i32>} : memref<1024xf32, #tpu.memory_space<vmem>>, vector<16xf32>,
    tpu.vector_store %arg7[%swap3A_278], %gather3A_277 {strides = array<i32>} : memref<1024xf32, #tpu.memory_space<vmem>>, vector<16xf32>,
    %get3A_280 = arith.constant 896 : index
    %get3A_281 = tpu.vector_load %arg6[%get3A_280] {strides = array<i32>} : memref<1024xi32, #tpu.memory_space<vmem>>, vector<16xi32>,
    %gather3A_282 = tpu.vector_load_idx %arg5[%get3A_281] : memref<32768xf32, #tpu.memory_space<vmem>>[vector<16xi32>], vector<16xf32>,
    %swap3A_283 = arith.constant 896 : index
    %swap3A_284 = tpu.vector_load %arg7[%swap3A_283] {strides = array<i32>} : memref<1024xf32, #tpu.memory_space<vmem>>, vector<16xf32>,
    tpu.vector_store %arg7[%swap3A_283], %gather3A_282 {strides = array<i32>} : memref<1024xf32, #tpu.memory_space<vmem>>, vector<16xf32>,
    %get3A_285 = arith.constant 912 : index
    %get3A_286 = tpu.vector_load %arg6[%get3A_285] {strides = array<i32>} : memref<1024xi32, #tpu.memory_space<vmem>>, vector<16xi32>,
    %gather3A_287 = tpu.vector_load_idx %arg5[%get3A_286] : memref<32768xf32, #tpu.memory_space<vmem>>[vector<16xi32>], vector<16xf32>,
    %swap3A_288 = arith.constant 912 : index
    %swap3A_289 = tpu.vector_load %arg7[%swap3A_288] {strides = array<i32>} : memref<1024xf32, #tpu.memory_space<vmem>>, vector<16xf32>,
    tpu.vector_store %arg7[%swap3A_288], %gather3A_287 {strides = array<i32>} : memref<1024xf32, #tpu.memory_space<vmem>>, vector<16xf32>,
    %get3A_290 = arith.constant 928 : index
    %get3A_291 = tpu.vector_load %arg6[%get3A_290] {strides = array<i32>} : memref<1024xi32, #tpu.memory_space<vmem>>, vector<16xi32>,
    %gather3A_292 = tpu.vector_load_idx %arg5[%get3A_291] : memref<32768xf32, #tpu.memory_space<vmem>>[vector<16xi32>], vector<16xf32>,
    %swap3A_293 = arith.constant 928 : index
    %swap3A_294 = tpu.vector_load %arg7[%swap3A_293] {strides = array<i32>} : memref<1024xf32, #tpu.memory_space<vmem>>, vector<16xf32>,
    tpu.vector_store %arg7[%swap3A_293], %gather3A_292 {strides = array<i32>} : memref<1024xf32, #tpu.memory_space<vmem>>, vector<16xf32>,
    %get3A_295 = arith.constant 944 : index
    %get3A_296 = tpu.vector_load %arg6[%get3A_295] {strides = array<i32>} : memref<1024xi32, #tpu.memory_space<vmem>>, vector<16xi32>,
    %gather3A_297 = tpu.vector_load_idx %arg5[%get3A_296] : memref<32768xf32, #tpu.memory_space<vmem>>[vector<16xi32>], vector<16xf32>,
    %swap3A_298 = arith.constant 944 : index
    %swap3A_299 = tpu.vector_load %arg7[%swap3A_298] {strides = array<i32>} : memref<1024xf32, #tpu.memory_space<vmem>>, vector<16xf32>,
    tpu.vector_store %arg7[%swap3A_298], %gather3A_297 {strides = array<i32>} : memref<1024xf32, #tpu.memory_space<vmem>>, vector<16xf32>,
    %get3A_300 = arith.constant 960 : index
    %get3A_301 = tpu.vector_load %arg6[%get3A_300] {strides = array<i32>} : memref<1024xi32, #tpu.memory_space<vmem>>, vector<16xi32>,
    %gather3A_302 = tpu.vector_load_idx %arg5[%get3A_301] : memref<32768xf32, #tpu.memory_space<vmem>>[vector<16xi32>], vector<16xf32>,
    %swap3A_303 = arith.constant 960 : index
    %swap3A_304 = tpu.vector_load %arg7[%swap3A_303] {strides = array<i32>} : memref<1024xf32, #tpu.memory_space<vmem>>, vector<16xf32>,
    tpu.vector_store %arg7[%swap3A_303], %gather3A_302 {strides = array<i32>} : memref<1024xf32, #tpu.memory_space<vmem>>, vector<16xf32>,
    %get3A_305 = arith.constant 976 : index
    %get3A_306 = tpu.vector_load %arg6[%get3A_305] {strides = array<i32>} : memref<1024xi32, #tpu.memory_space<vmem>>, vector<16xi32>,
    %gather3A_307 = tpu.vector_load_idx %arg5[%get3A_306] : memref<32768xf32, #tpu.memory_space<vmem>>[vector<16xi32>], vector<16xf32>,
    %swap3A_308 = arith.constant 976 : index
    %swap3A_309 = tpu.vector_load %arg7[%swap3A_308] {strides = array<i32>} : memref<1024xf32, #tpu.memory_space<vmem>>, vector<16xf32>,
    tpu.vector_store %arg7[%swap3A_308], %gather3A_307 {strides = array<i32>} : memref<1024xf32, #tpu.memory_space<vmem>>, vector<16xf32>,
    %get3A_310 = arith.constant 992 : index
    %get3A_311 = tpu.vector_load %arg6[%get3A_310] {strides = array<i32>} : memref<1024xi32, #tpu.memory_space<vmem>>, vector<16xi32>,
    %gather3A_312 = tpu.vector_load_idx %arg5[%get3A_311] : memref<32768xf32, #tpu.memory_space<vmem>>[vector<16xi32>], vector<16xf32>,
    %swap3A_313 = arith.constant 992 : index
    %swap3A_314 = tpu.vector_load %arg7[%swap3A_313] {strides = array<i32>} : memref<1024xf32, #tpu.memory_space<vmem>>, vector<16xf32>,
    tpu.vector_store %arg7[%swap3A_313], %gather3A_312 {strides = array<i32>} : memref<1024xf32, #tpu.memory_space<vmem>>, vector<16xf32>,
    %get3A_315 = arith.constant 1008 : index
    %get3A_316 = tpu.vector_load %arg6[%get3A_315] {strides = array<i32>} : memref<1024xi32, #tpu.memory_space<vmem>>, vector<16xi32>,
    %gather3A_317 = tpu.vector_load_idx %arg5[%get3A_316] : memref<32768xf32, #tpu.memory_space<vmem>>[vector<16xi32>], vector<16xf32>,
    %swap3A_318 = arith.constant 1008 : index
    %swap3A_319 = tpu.vector_load %arg7[%swap3A_318] {strides = array<i32>} : memref<1024xf32, #tpu.memory_space<vmem>>, vector<16xf32>,
    tpu.vector_store %arg7[%swap3A_318], %gather3A_317 {strides = array<i32>} : memref<1024xf32, #tpu.memory_space<vmem>>, vector<16xf32>,
    "tpu.region"() ({
      %run_scoped3A = tpu.sem_alloc : memref<!tpu.dma_semaphore, #tpu.memory_space<semaphore_mem>>
      %dma_start3A = tpu.memref_slice %arg4[%mul3A_2] : memref<32768xf32, #tpu.memory_space<hbm>> -> memref<1024xf32, #tpu.memory_space<hbm>>
      %dma_start3A_320 = tpu.memref_slice %arg4[%mul3A_2] : memref<32768xf32, #tpu.memory_space<hbm>> -> memref<1024xf32, #tpu.memory_space<hbm>>
      tpu.enqueue_dma source(%arg7 : memref<1024xf32, #tpu.memory_space<vmem>>) target(%dma_start3A_320 : memref<1024xf32, #tpu.memory_space<hbm>>) target_semaphore(%run_scoped3A : memref<!tpu.dma_semaphore, #tpu.memory_space<semaphore_mem>>)
      %dma_wait3A = tpu.memref_slice %arg4[%mul3A_2] : memref<32768xf32, #tpu.memory_space<hbm>> -> memref<1024xf32, #tpu.memory_space<hbm>>
      %dma_wait3A_321 = tpu.memref_slice %arg4[%mul3A_2] : memref<32768xf32, #tpu.memory_space<hbm>> -> memref<1024xf32, #tpu.memory_space<hbm>>
      tpu.wait_dma2 semaphore(%run_scoped3A : memref<!tpu.dma_semaphore, #tpu.memory_space<semaphore_mem>>) src(%arg7 : memref<1024xf32, #tpu.memory_space<vmem>>) dst(%dma_wait3A_321 : memref<1024xf32, #tpu.memory_space<hbm>>)
      tpu.yield
    }) : () -> ()
    return
  }
}

module attributes {stable_mosaic.version = 14 : i64} {
  func.func @_p1(%arg0: i32, %arg1: memref<1x3x512x512xf32, #tpu.memory_space<vmem>>, %arg2: memref<512x3072xbf16, #tpu.memory_space<vmem>>, %arg3: memref<512x3072xbf16, #tpu.memory_space<vmem>>, %arg4: memref<3072x512xbf16, #tpu.memory_space<vmem>>, %arg5: memref<3072x512xbf16, #tpu.memory_space<vmem>>, %arg6: memref<32x1536xbf16, #tpu.memory_space<vmem>>, %arg7: memref<1536x32xbf16, #tpu.memory_space<vmem>>, %arg8: memref<8x96xbf16, #tpu.memory_space<vmem>>, %arg9: memref<864x16xbf16, #tpu.memory_space<vmem>>, %arg10: memref<1x3x512x512xf32, #tpu.memory_space<vmem>>, %arg11: memref<1x32x32xf32, #tpu.memory_space<vmem>>, %arg12: memref<1x1x16xf32, #tpu.memory_space<vmem>>) attributes {dimension_semantics = [#tpu.dimension_semantics<arbitrary>], iteration_bounds = array<i64: 32>, scalar_prefetch = 0 : i64, scratch_operands = 0 : i64, tpu.core_type = #tpu.core_type<tc>, window_params = [{transform_indices = @transform_0, window_bounds = array<i64: 1, 3, 512, 512>}, {pipeline_mode = #tpu.pipeline_mode<synchronous>, transform_indices = @transform_1, window_bounds = array<i64: 512, 3072>}, {pipeline_mode = #tpu.pipeline_mode<synchronous>, transform_indices = @transform_2, window_bounds = array<i64: 512, 3072>}, {pipeline_mode = #tpu.pipeline_mode<synchronous>, transform_indices = @transform_3, window_bounds = array<i64: 3072, 512>}, {pipeline_mode = #tpu.pipeline_mode<synchronous>, transform_indices = @transform_4, window_bounds = array<i64: 3072, 512>}, {pipeline_mode = #tpu.pipeline_mode<synchronous>, transform_indices = @transform_5, window_bounds = array<i64: 32, 1536>}, {pipeline_mode = #tpu.pipeline_mode<synchronous>, transform_indices = @transform_6, window_bounds = array<i64: 1536, 32>}, {pipeline_mode = #tpu.pipeline_mode<synchronous>, transform_indices = @transform_7, window_bounds = array<i64: 8, 96>}, {pipeline_mode = #tpu.pipeline_mode<synchronous>, transform_indices = @transform_8, window_bounds = array<i64: 864, 16>}, {transform_indices = @transform_9, window_bounds = array<i64: 1, 3, 512, 512>}, {transform_indices = @transform_10, window_bounds = array<i64: 1, 32, 32>}, {transform_indices = @transform_11, window_bounds = array<i64: 1, 1, 16>}]} {
    %get3A = arith.constant 0 : index
    %get3A_0 = arith.constant 0 : index
    %get3A_1 = vector.load %arg2[%get3A, %get3A_0] : memref<512x3072xbf16, #tpu.memory_space<vmem>>, vector<512x3072xbf16>
    %get3A_2 = arith.constant 0 : index
    %get3A_3 = arith.constant 0 : index
    %get3A_4 = vector.load %arg3[%get3A_2, %get3A_3] : memref<512x3072xbf16, #tpu.memory_space<vmem>>, vector<512x3072xbf16>
    %get3A_5 = arith.constant 0 : index
    %get3A_6 = arith.constant 0 : index
    %get3A_7 = vector.load %arg4[%get3A_5, %get3A_6] : memref<3072x512xbf16, #tpu.memory_space<vmem>>, vector<3072x512xbf16>
    %get3A_8 = arith.constant 0 : index
    %get3A_9 = arith.constant 0 : index
    %get3A_10 = vector.load %arg5[%get3A_8, %get3A_9] : memref<3072x512xbf16, #tpu.memory_space<vmem>>, vector<3072x512xbf16>
    %get3A_11 = arith.constant 0 : index
    %get3A_12 = arith.constant 0 : index
    %get3A_13 = arith.constant 0 : index
    %get3A_14 = arith.constant 0 : index
    %get3A_15 = vector.load %arg1[%get3A_11, %get3A_12, %get3A_13, %get3A_14] : memref<1x3x512x512xf32, #tpu.memory_space<vmem>>, vector<1x1x512x512xf32>
    %get3A_16 = vector.shape_cast %get3A_15 : vector<1x1x512x512xf32> to vector<512x512xf32>
    %convert_element_type3A = arith.truncf %get3A_16 : vector<512x512xf32> to vector<512x512xbf16>
    %convert_element_type3A_17 = arith.extf %convert_element_type3A : vector<512x512xbf16> to vector<512x512xf32>
    %sub3A = arith.subf %get3A_16, %convert_element_type3A_17 : vector<512x512xf32>
    %convert_element_type3A_18 = arith.truncf %sub3A : vector<512x512xf32> to vector<512x512xbf16>
    %convert_element_type3A_19 = arith.extf %convert_element_type3A_18 : vector<512x512xbf16> to vector<512x512xf32>
    %sub3A_20 = arith.subf %sub3A, %convert_element_type3A_19 : vector<512x512xf32>
    %convert_element_type3A_21 = arith.truncf %sub3A_20 : vector<512x512xf32> to vector<512x512xbf16>
    %concatenate3A = tpu.concatenate %convert_element_type3A, %convert_element_type3A_18, %convert_element_type3A, %convert_element_type3A_21, %convert_element_type3A_18, %convert_element_type3A in 0 : vector<512x512xbf16>, vector<512x512xbf16>, vector<512x512xbf16>, vector<512x512xbf16>, vector<512x512xbf16>, vector<512x512xbf16> -> vector<3072x512xbf16>
    %dot_general3A = arith.constant dense<0.000000e+00> : vector<512x512xf32>
    %dot_general3A_22 = tpu.matmul %get3A_1, %concatenate3A, %dot_general3A {dimension_numbers = #tpu.dot_dimension_numbers<[1], [0], [0], [1], [0, 0, 1, 1], [], []>, transpose_lhs_hint = false} : vector<512x3072xbf16>, vector<3072x512xbf16>, vector<512x512xf32> -> vector<512x512xf32>
    %dot_general3A_23 = arith.constant dense<0.000000e+00> : vector<512x512xf32>
    %dot_general3A_24 = tpu.matmul %get3A_4, %concatenate3A, %dot_general3A_23 {dimension_numbers = #tpu.dot_dimension_numbers<[1], [0], [0], [1], [0, 0, 1, 1], [], []>, transpose_lhs_hint = false} : vector<512x3072xbf16>, vector<3072x512xbf16>, vector<512x512xf32> -> vector<512x512xf32>
    %convert_element_type3A_25 = arith.truncf %dot_general3A_22 : vector<512x512xf32> to vector<512x512xbf16>
    %convert_element_type3A_26 = arith.extf %convert_element_type3A_25 : vector<512x512xbf16> to vector<512x512xf32>
    %sub3A_27 = arith.subf %dot_general3A_22, %convert_element_type3A_26 : vector<512x512xf32>
    %convert_element_type3A_28 = arith.truncf %sub3A_27 : vector<512x512xf32> to vector<512x512xbf16>
    %convert_element_type3A_29 = arith.extf %convert_element_type3A_28 : vector<512x512xbf16> to vector<512x512xf32>
    %sub3A_30 = arith.subf %sub3A_27, %convert_element_type3A_29 : vector<512x512xf32>
    %convert_element_type3A_31 = arith.truncf %sub3A_30 : vector<512x512xf32> to vector<512x512xbf16>
    %concatenate3A_32 = tpu.concatenate %convert_element_type3A_25, %convert_element_type3A_25, %convert_element_type3A_28, %convert_element_type3A_25, %convert_element_type3A_28, %convert_element_type3A_31 in 1 : vector<512x512xbf16>, vector<512x512xbf16>, vector<512x512xbf16>, vector<512x512xbf16>, vector<512x512xbf16>, vector<512x512xbf16> -> vector<512x3072xbf16>
    %convert_element_type3A_33 = arith.truncf %dot_general3A_24 : vector<512x512xf32> to vector<512x512xbf16>
    %convert_element_type3A_34 = arith.extf %convert_element_type3A_33 : vector<512x512xbf16> to vector<512x512xf32>
    %sub3A_35 = arith.subf %dot_general3A_24, %convert_element_type3A_34 : vector<512x512xf32>
    %convert_element_type3A_36 = arith.truncf %sub3A_35 : vector<512x512xf32> to vector<512x512xbf16>
    %convert_element_type3A_37 = arith.extf %convert_element_type3A_36 : vector<512x512xbf16> to vector<512x512xf32>
    %sub3A_38 = arith.subf %sub3A_35, %convert_element_type3A_37 : vector<512x512xf32>
    %convert_element_type3A_39 = arith.truncf %sub3A_38 : vector<512x512xf32> to vector<512x512xbf16>
    %concatenate3A_40 = tpu.concatenate %convert_element_type3A_33, %convert_element_type3A_33, %convert_element_type3A_36, %convert_element_type3A_33, %convert_element_type3A_36, %convert_element_type3A_39 in 1 : vector<512x512xbf16>, vector<512x512xbf16>, vector<512x512xbf16>, vector<512x512xbf16>, vector<512x512xbf16>, vector<512x512xbf16> -> vector<512x3072xbf16>
    %dot_general3A_41 = arith.constant dense<0.000000e+00> : vector<512x512xf32>
    %dot_general3A_42 = tpu.matmul %concatenate3A_32, %get3A_7, %dot_general3A_41 {dimension_numbers = #tpu.dot_dimension_numbers<[1], [0], [0], [1], [0, 0, 1, 1], [], []>, transpose_lhs_hint = false} : vector<512x3072xbf16>, vector<3072x512xbf16>, vector<512x512xf32> -> vector<512x512xf32>
    %dot_general3A_43 = arith.constant dense<0.000000e+00> : vector<512x512xf32>
    %dot_general3A_44 = tpu.matmul %concatenate3A_40, %get3A_10, %dot_general3A_43 {dimension_numbers = #tpu.dot_dimension_numbers<[1], [0], [0], [1], [0, 0, 1, 1], [], []>, transpose_lhs_hint = false} : vector<512x3072xbf16>, vector<3072x512xbf16>, vector<512x512xf32> -> vector<512x512xf32>
    %sub3A_45 = arith.subf %dot_general3A_42, %dot_general3A_44 : vector<512x512xf32>
    %dot_general3A_46 = arith.constant dense<0.000000e+00> : vector<512x512xf32>
    %dot_general3A_47 = tpu.matmul %concatenate3A_32, %get3A_10, %dot_general3A_46 {dimension_numbers = #tpu.dot_dimension_numbers<[1], [0], [0], [1], [0, 0, 1, 1], [], []>, transpose_lhs_hint = false} : vector<512x3072xbf16>, vector<3072x512xbf16>, vector<512x512xf32> -> vector<512x512xf32>
    %dot_general3A_48 = arith.constant dense<0.000000e+00> : vector<512x512xf32>
    %dot_general3A_49 = tpu.matmul %concatenate3A_40, %get3A_7, %dot_general3A_48 {dimension_numbers = #tpu.dot_dimension_numbers<[1], [0], [0], [1], [0, 0, 1, 1], [], []>, transpose_lhs_hint = false} : vector<512x3072xbf16>, vector<3072x512xbf16>, vector<512x512xf32> -> vector<512x512xf32>
    %add3A = arith.addf %dot_general3A_47, %dot_general3A_49 : vector<512x512xf32>
    %mul3A = arith.mulf %sub3A_45, %sub3A_45 : vector<512x512xf32>
    %mul3A_50 = arith.mulf %add3A, %add3A : vector<512x512xf32>
    %add3A_51 = arith.addf %mul3A, %mul3A_50 : vector<512x512xf32>
    %sqrt3A = math.sqrt %add3A_51 : vector<512x512xf32>
    %mul3A_52 = arith.constant 0.001953125 : f32
    %mul3A_53 = vector.broadcast %mul3A_52 : f32 to vector<512x512xf32>
    %mul3A_54 = arith.mulf %sqrt3A, %mul3A_53 : vector<512x512xf32>
    %swap3A = arith.constant 0 : index
    %swap3A_55 = arith.constant 0 : index
    %swap3A_56 = arith.constant 0 : index
    %swap3A_57 = arith.constant 0 : index
    %swap3A_58 = vector.load %arg10[%swap3A, %swap3A_55, %swap3A_56, %swap3A_57] : memref<1x3x512x512xf32, #tpu.memory_space<vmem>>, vector<1x1x512x512xf32>
    %swap3A_59 = vector.shape_cast %swap3A_58 : vector<1x1x512x512xf32> to vector<512x512xf32>
    %swap3A_60 = vector.shape_cast %mul3A_54 : vector<512x512xf32> to vector<1x1x512x512xf32>
    tpu.vector_store %arg10[%swap3A, %swap3A_55, %swap3A_56, %swap3A_57], %swap3A_60 {strides = array<i32>} : memref<1x3x512x512xf32, #tpu.memory_space<vmem>>, vector<1x1x512x512xf32>,
    %convert_element_type3A_61 = arith.truncf %mul3A_54 : vector<512x512xf32> to vector<512x512xbf16>
    %convert_element_type3A_62 = arith.extf %convert_element_type3A_61 : vector<512x512xbf16> to vector<512x512xf32>
    %sub3A_63 = arith.subf %mul3A_54, %convert_element_type3A_62 : vector<512x512xf32>
    %convert_element_type3A_64 = arith.truncf %sub3A_63 : vector<512x512xf32> to vector<512x512xbf16>
    %convert_element_type3A_65 = arith.extf %convert_element_type3A_64 : vector<512x512xbf16> to vector<512x512xf32>
    %sub3A_66 = arith.subf %sub3A_63, %convert_element_type3A_65 : vector<512x512xf32>
    %convert_element_type3A_67 = arith.truncf %sub3A_66 : vector<512x512xf32> to vector<512x512xbf16>
    %concatenate3A_68 = tpu.concatenate %convert_element_type3A_61, %convert_element_type3A_64, %convert_element_type3A_67 in 0 : vector<512x512xbf16>, vector<512x512xbf16>, vector<512x512xbf16> -> vector<1536x512xbf16>
    %get3A_69 = arith.constant 0 : index
    %get3A_70 = arith.constant 0 : index
    %get3A_71 = vector.load %arg6[%get3A_69, %get3A_70] : memref<32x1536xbf16, #tpu.memory_space<vmem>>, vector<32x1536xbf16>
    %dot_general3A_72 = arith.constant dense<0.000000e+00> : vector<32x512xf32>
    %dot_general3A_73 = tpu.matmul %get3A_71, %concatenate3A_68, %dot_general3A_72 {dimension_numbers = #tpu.dot_dimension_numbers<[1], [0], [0], [1], [0, 0, 1, 1], [], []>, transpose_lhs_hint = false} : vector<32x1536xbf16>, vector<1536x512xbf16>, vector<32x512xf32> -> vector<32x512xf32>
    %convert_element_type3A_74 = arith.truncf %dot_general3A_73 : vector<32x512xf32> to vector<32x512xbf16>
    %convert_element_type3A_75 = arith.extf %convert_element_type3A_74 : vector<32x512xbf16> to vector<32x512xf32>
    %sub3A_76 = arith.subf %dot_general3A_73, %convert_element_type3A_75 : vector<32x512xf32>
    %convert_element_type3A_77 = arith.truncf %sub3A_76 : vector<32x512xf32> to vector<32x512xbf16>
    %convert_element_type3A_78 = arith.extf %convert_element_type3A_77 : vector<32x512xbf16> to vector<32x512xf32>
    %sub3A_79 = arith.subf %sub3A_76, %convert_element_type3A_78 : vector<32x512xf32>
    %convert_element_type3A_80 = arith.truncf %sub3A_79 : vector<32x512xf32> to vector<32x512xbf16>
    %concatenate3A_81 = tpu.concatenate %convert_element_type3A_74, %convert_element_type3A_77, %convert_element_type3A_80 in 1 : vector<32x512xbf16>, vector<32x512xbf16>, vector<32x512xbf16> -> vector<32x1536xbf16>
    %get3A_82 = arith.constant 0 : index
    %get3A_83 = arith.constant 0 : index
    %get3A_84 = vector.load %arg7[%get3A_82, %get3A_83] : memref<1536x32xbf16, #tpu.memory_space<vmem>>, vector<1536x32xbf16>
    %dot_general3A_85 = arith.constant dense<0.000000e+00> : vector<32x32xf32>
    %dot_general3A_86 = tpu.matmul %concatenate3A_81, %get3A_84, %dot_general3A_85 {dimension_numbers = #tpu.dot_dimension_numbers<[1], [0], [0], [1], [0, 0, 1, 1], [], []>, transpose_lhs_hint = false} : vector<32x1536xbf16>, vector<1536x32xbf16>, vector<32x32xf32> -> vector<32x32xf32>
    %get3A_87 = arith.constant 0 : index
    %get3A_88 = arith.constant 1 : index
    %get3A_89 = arith.constant 0 : index
    %get3A_90 = arith.constant 0 : index
    %get3A_91 = vector.load %arg1[%get3A_87, %get3A_88, %get3A_89, %get3A_90] : memref<1x3x512x512xf32, #tpu.memory_space<vmem>>, vector<1x1x512x512xf32>
    %get3A_92 = vector.shape_cast %get3A_91 : vector<1x1x512x512xf32> to vector<512x512xf32>
    %convert_element_type3A_93 = arith.truncf %get3A_92 : vector<512x512xf32> to vector<512x512xbf16>
    %convert_element_type3A_94 = arith.extf %convert_element_type3A_93 : vector<512x512xbf16> to vector<512x512xf32>
    %sub3A_95 = arith.subf %get3A_92, %convert_element_type3A_94 : vector<512x512xf32>
    %convert_element_type3A_96 = arith.truncf %sub3A_95 : vector<512x512xf32> to vector<512x512xbf16>
    %convert_element_type3A_97 = arith.extf %convert_element_type3A_96 : vector<512x512xbf16> to vector<512x512xf32>
    %sub3A_98 = arith.subf %sub3A_95, %convert_element_type3A_97 : vector<512x512xf32>
    %convert_element_type3A_99 = arith.truncf %sub3A_98 : vector<512x512xf32> to vector<512x512xbf16>
    %concatenate3A_100 = tpu.concatenate %convert_element_type3A_93, %convert_element_type3A_96, %convert_element_type3A_93, %convert_element_type3A_99, %convert_element_type3A_96, %convert_element_type3A_93 in 0 : vector<512x512xbf16>, vector<512x512xbf16>, vector<512x512xbf16>, vector<512x512xbf16>, vector<512x512xbf16>, vector<512x512xbf16> -> vector<3072x512xbf16>
    %dot_general3A_101 = arith.constant dense<0.000000e+00> : vector<512x512xf32>
    %dot_general3A_102 = tpu.matmul %get3A_1, %concatenate3A_100, %dot_general3A_101 {dimension_numbers = #tpu.dot_dimension_numbers<[1], [0], [0], [1], [0, 0, 1, 1], [], []>, transpose_lhs_hint = false} : vector<512x3072xbf16>, vector<3072x512xbf16>, vector<512x512xf32> -> vector<512x512xf32>
    %dot_general3A_103 = arith.constant dense<0.000000e+00> : vector<512x512xf32>
    %dot_general3A_104 = tpu.matmul %get3A_4, %concatenate3A_100, %dot_general3A_103 {dimension_numbers = #tpu.dot_dimension_numbers<[1], [0], [0], [1], [0, 0, 1, 1], [], []>, transpose_lhs_hint = false} : vector<512x3072xbf16>, vector<3072x512xbf16>, vector<512x512xf32> -> vector<512x512xf32>
    %convert_element_type3A_105 = arith.truncf %dot_general3A_102 : vector<512x512xf32> to vector<512x512xbf16>
    %convert_element_type3A_106 = arith.extf %convert_element_type3A_105 : vector<512x512xbf16> to vector<512x512xf32>
    %sub3A_107 = arith.subf %dot_general3A_102, %convert_element_type3A_106 : vector<512x512xf32>
    %convert_element_type3A_108 = arith.truncf %sub3A_107 : vector<512x512xf32> to vector<512x512xbf16>
    %convert_element_type3A_109 = arith.extf %convert_element_type3A_108 : vector<512x512xbf16> to vector<512x512xf32>
    %sub3A_110 = arith.subf %sub3A_107, %convert_element_type3A_109 : vector<512x512xf32>
    %convert_element_type3A_111 = arith.truncf %sub3A_110 : vector<512x512xf32> to vector<512x512xbf16>
    %concatenate3A_112 = tpu.concatenate %convert_element_type3A_105, %convert_element_type3A_105, %convert_element_type3A_108, %convert_element_type3A_105, %convert_element_type3A_108, %convert_element_type3A_111 in 1 : vector<512x512xbf16>, vector<512x512xbf16>, vector<512x512xbf16>, vector<512x512xbf16>, vector<512x512xbf16>, vector<512x512xbf16> -> vector<512x3072xbf16>
    %convert_element_type3A_113 = arith.truncf %dot_general3A_104 : vector<512x512xf32> to vector<512x512xbf16>
    %convert_element_type3A_114 = arith.extf %convert_element_type3A_113 : vector<512x512xbf16> to vector<512x512xf32>
    %sub3A_115 = arith.subf %dot_general3A_104, %convert_element_type3A_114 : vector<512x512xf32>
    %convert_element_type3A_116 = arith.truncf %sub3A_115 : vector<512x512xf32> to vector<512x512xbf16>
    %convert_element_type3A_117 = arith.extf %convert_element_type3A_116 : vector<512x512xbf16> to vector<512x512xf32>
    %sub3A_118 = arith.subf %sub3A_115, %convert_element_type3A_117 : vector<512x512xf32>
    %convert_element_type3A_119 = arith.truncf %sub3A_118 : vector<512x512xf32> to vector<512x512xbf16>
    %concatenate3A_120 = tpu.concatenate %convert_element_type3A_113, %convert_element_type3A_113, %convert_element_type3A_116, %convert_element_type3A_113, %convert_element_type3A_116, %convert_element_type3A_119 in 1 : vector<512x512xbf16>, vector<512x512xbf16>, vector<512x512xbf16>, vector<512x512xbf16>, vector<512x512xbf16>, vector<512x512xbf16> -> vector<512x3072xbf16>
    %dot_general3A_121 = arith.constant dense<0.000000e+00> : vector<512x512xf32>
    %dot_general3A_122 = tpu.matmul %concatenate3A_112, %get3A_7, %dot_general3A_121 {dimension_numbers = #tpu.dot_dimension_numbers<[1], [0], [0], [1], [0, 0, 1, 1], [], []>, transpose_lhs_hint = false} : vector<512x3072xbf16>, vector<3072x512xbf16>, vector<512x512xf32> -> vector<512x512xf32>
    %dot_general3A_123 = arith.constant dense<0.000000e+00> : vector<512x512xf32>
    %dot_general3A_124 = tpu.matmul %concatenate3A_120, %get3A_10, %dot_general3A_123 {dimension_numbers = #tpu.dot_dimension_numbers<[1], [0], [0], [1], [0, 0, 1, 1], [], []>, transpose_lhs_hint = false} : vector<512x3072xbf16>, vector<3072x512xbf16>, vector<512x512xf32> -> vector<512x512xf32>
    %sub3A_125 = arith.subf %dot_general3A_122, %dot_general3A_124 : vector<512x512xf32>
    %dot_general3A_126 = arith.constant dense<0.000000e+00> : vector<512x512xf32>
    %dot_general3A_127 = tpu.matmul %concatenate3A_112, %get3A_10, %dot_general3A_126 {dimension_numbers = #tpu.dot_dimension_numbers<[1], [0], [0], [1], [0, 0, 1, 1], [], []>, transpose_lhs_hint = false} : vector<512x3072xbf16>, vector<3072x512xbf16>, vector<512x512xf32> -> vector<512x512xf32>
    %dot_general3A_128 = arith.constant dense<0.000000e+00> : vector<512x512xf32>
    %dot_general3A_129 = tpu.matmul %concatenate3A_120, %get3A_7, %dot_general3A_128 {dimension_numbers = #tpu.dot_dimension_numbers<[1], [0], [0], [1], [0, 0, 1, 1], [], []>, transpose_lhs_hint = false} : vector<512x3072xbf16>, vector<3072x512xbf16>, vector<512x512xf32> -> vector<512x512xf32>
    %add3A_130 = arith.addf %dot_general3A_127, %dot_general3A_129 : vector<512x512xf32>
    %mul3A_131 = arith.mulf %sub3A_125, %sub3A_125 : vector<512x512xf32>
    %mul3A_132 = arith.mulf %add3A_130, %add3A_130 : vector<512x512xf32>
    %add3A_133 = arith.addf %mul3A_131, %mul3A_132 : vector<512x512xf32>
    %sqrt3A_134 = math.sqrt %add3A_133 : vector<512x512xf32>
    %mul3A_135 = arith.constant 0.001953125 : f32
    %mul3A_136 = vector.broadcast %mul3A_135 : f32 to vector<512x512xf32>
    %mul3A_137 = arith.mulf %sqrt3A_134, %mul3A_136 : vector<512x512xf32>
    %swap3A_138 = arith.constant 0 : index
    %swap3A_139 = arith.constant 1 : index
    %swap3A_140 = arith.constant 0 : index
    %swap3A_141 = arith.constant 0 : index
    %swap3A_142 = vector.load %arg10[%swap3A_138, %swap3A_139, %swap3A_140, %swap3A_141] : memref<1x3x512x512xf32, #tpu.memory_space<vmem>>, vector<1x1x512x512xf32>
    %swap3A_143 = vector.shape_cast %swap3A_142 : vector<1x1x512x512xf32> to vector<512x512xf32>
    %swap3A_144 = vector.shape_cast %mul3A_137 : vector<512x512xf32> to vector<1x1x512x512xf32>
    tpu.vector_store %arg10[%swap3A_138, %swap3A_139, %swap3A_140, %swap3A_141], %swap3A_144 {strides = array<i32>} : memref<1x3x512x512xf32, #tpu.memory_space<vmem>>, vector<1x1x512x512xf32>,
    %convert_element_type3A_145 = arith.truncf %mul3A_137 : vector<512x512xf32> to vector<512x512xbf16>
    %convert_element_type3A_146 = arith.extf %convert_element_type3A_145 : vector<512x512xbf16> to vector<512x512xf32>
    %sub3A_147 = arith.subf %mul3A_137, %convert_element_type3A_146 : vector<512x512xf32>
    %convert_element_type3A_148 = arith.truncf %sub3A_147 : vector<512x512xf32> to vector<512x512xbf16>
    %convert_element_type3A_149 = arith.extf %convert_element_type3A_148 : vector<512x512xbf16> to vector<512x512xf32>
    %sub3A_150 = arith.subf %sub3A_147, %convert_element_type3A_149 : vector<512x512xf32>
    %convert_element_type3A_151 = arith.truncf %sub3A_150 : vector<512x512xf32> to vector<512x512xbf16>
    %concatenate3A_152 = tpu.concatenate %convert_element_type3A_145, %convert_element_type3A_148, %convert_element_type3A_151 in 0 : vector<512x512xbf16>, vector<512x512xbf16>, vector<512x512xbf16> -> vector<1536x512xbf16>
    %get3A_153 = arith.constant 0 : index
    %get3A_154 = arith.constant 0 : index
    %get3A_155 = vector.load %arg6[%get3A_153, %get3A_154] : memref<32x1536xbf16, #tpu.memory_space<vmem>>, vector<32x1536xbf16>
    %dot_general3A_156 = arith.constant dense<0.000000e+00> : vector<32x512xf32>
    %dot_general3A_157 = tpu.matmul %get3A_155, %concatenate3A_152, %dot_general3A_156 {dimension_numbers = #tpu.dot_dimension_numbers<[1], [0], [0], [1], [0, 0, 1, 1], [], []>, transpose_lhs_hint = false} : vector<32x1536xbf16>, vector<1536x512xbf16>, vector<32x512xf32> -> vector<32x512xf32>
    %convert_element_type3A_158 = arith.truncf %dot_general3A_157 : vector<32x512xf32> to vector<32x512xbf16>
    %convert_element_type3A_159 = arith.extf %convert_element_type3A_158 : vector<32x512xbf16> to vector<32x512xf32>
    %sub3A_160 = arith.subf %dot_general3A_157, %convert_element_type3A_159 : vector<32x512xf32>
    %convert_element_type3A_161 = arith.truncf %sub3A_160 : vector<32x512xf32> to vector<32x512xbf16>
    %convert_element_type3A_162 = arith.extf %convert_element_type3A_161 : vector<32x512xbf16> to vector<32x512xf32>
    %sub3A_163 = arith.subf %sub3A_160, %convert_element_type3A_162 : vector<32x512xf32>
    %convert_element_type3A_164 = arith.truncf %sub3A_163 : vector<32x512xf32> to vector<32x512xbf16>
    %concatenate3A_165 = tpu.concatenate %convert_element_type3A_158, %convert_element_type3A_161, %convert_element_type3A_164 in 1 : vector<32x512xbf16>, vector<32x512xbf16>, vector<32x512xbf16> -> vector<32x1536xbf16>
    %get3A_166 = arith.constant 0 : index
    %get3A_167 = arith.constant 0 : index
    %get3A_168 = vector.load %arg7[%get3A_166, %get3A_167] : memref<1536x32xbf16, #tpu.memory_space<vmem>>, vector<1536x32xbf16>
    %dot_general3A_169 = arith.constant dense<0.000000e+00> : vector<32x32xf32>
    %dot_general3A_170 = tpu.matmul %concatenate3A_165, %get3A_168, %dot_general3A_169 {dimension_numbers = #tpu.dot_dimension_numbers<[1], [0], [0], [1], [0, 0, 1, 1], [], []>, transpose_lhs_hint = false} : vector<32x1536xbf16>, vector<1536x32xbf16>, vector<32x32xf32> -> vector<32x32xf32>
    %get3A_171 = arith.constant 0 : index
    %get3A_172 = arith.constant 2 : index
    %get3A_173 = arith.constant 0 : index
    %get3A_174 = arith.constant 0 : index
    %get3A_175 = vector.load %arg1[%get3A_171, %get3A_172, %get3A_173, %get3A_174] : memref<1x3x512x512xf32, #tpu.memory_space<vmem>>, vector<1x1x512x512xf32>
    %get3A_176 = vector.shape_cast %get3A_175 : vector<1x1x512x512xf32> to vector<512x512xf32>
    %convert_element_type3A_177 = arith.truncf %get3A_176 : vector<512x512xf32> to vector<512x512xbf16>
    %convert_element_type3A_178 = arith.extf %convert_element_type3A_177 : vector<512x512xbf16> to vector<512x512xf32>
    %sub3A_179 = arith.subf %get3A_176, %convert_element_type3A_178 : vector<512x512xf32>
    %convert_element_type3A_180 = arith.truncf %sub3A_179 : vector<512x512xf32> to vector<512x512xbf16>
    %convert_element_type3A_181 = arith.extf %convert_element_type3A_180 : vector<512x512xbf16> to vector<512x512xf32>
    %sub3A_182 = arith.subf %sub3A_179, %convert_element_type3A_181 : vector<512x512xf32>
    %convert_element_type3A_183 = arith.truncf %sub3A_182 : vector<512x512xf32> to vector<512x512xbf16>
    %concatenate3A_184 = tpu.concatenate %convert_element_type3A_177, %convert_element_type3A_180, %convert_element_type3A_177, %convert_element_type3A_183, %convert_element_type3A_180, %convert_element_type3A_177 in 0 : vector<512x512xbf16>, vector<512x512xbf16>, vector<512x512xbf16>, vector<512x512xbf16>, vector<512x512xbf16>, vector<512x512xbf16> -> vector<3072x512xbf16>
    %dot_general3A_185 = arith.constant dense<0.000000e+00> : vector<512x512xf32>
    %dot_general3A_186 = tpu.matmul %get3A_1, %concatenate3A_184, %dot_general3A_185 {dimension_numbers = #tpu.dot_dimension_numbers<[1], [0], [0], [1], [0, 0, 1, 1], [], []>, transpose_lhs_hint = false} : vector<512x3072xbf16>, vector<3072x512xbf16>, vector<512x512xf32> -> vector<512x512xf32>
    %dot_general3A_187 = arith.constant dense<0.000000e+00> : vector<512x512xf32>
    %dot_general3A_188 = tpu.matmul %get3A_4, %concatenate3A_184, %dot_general3A_187 {dimension_numbers = #tpu.dot_dimension_numbers<[1], [0], [0], [1], [0, 0, 1, 1], [], []>, transpose_lhs_hint = false} : vector<512x3072xbf16>, vector<3072x512xbf16>, vector<512x512xf32> -> vector<512x512xf32>
    %convert_element_type3A_189 = arith.truncf %dot_general3A_186 : vector<512x512xf32> to vector<512x512xbf16>
    %convert_element_type3A_190 = arith.extf %convert_element_type3A_189 : vector<512x512xbf16> to vector<512x512xf32>
    %sub3A_191 = arith.subf %dot_general3A_186, %convert_element_type3A_190 : vector<512x512xf32>
    %convert_element_type3A_192 = arith.truncf %sub3A_191 : vector<512x512xf32> to vector<512x512xbf16>
    %convert_element_type3A_193 = arith.extf %convert_element_type3A_192 : vector<512x512xbf16> to vector<512x512xf32>
    %sub3A_194 = arith.subf %sub3A_191, %convert_element_type3A_193 : vector<512x512xf32>
    %convert_element_type3A_195 = arith.truncf %sub3A_194 : vector<512x512xf32> to vector<512x512xbf16>
    %concatenate3A_196 = tpu.concatenate %convert_element_type3A_189, %convert_element_type3A_189, %convert_element_type3A_192, %convert_element_type3A_189, %convert_element_type3A_192, %convert_element_type3A_195 in 1 : vector<512x512xbf16>, vector<512x512xbf16>, vector<512x512xbf16>, vector<512x512xbf16>, vector<512x512xbf16>, vector<512x512xbf16> -> vector<512x3072xbf16>
    %convert_element_type3A_197 = arith.truncf %dot_general3A_188 : vector<512x512xf32> to vector<512x512xbf16>
    %convert_element_type3A_198 = arith.extf %convert_element_type3A_197 : vector<512x512xbf16> to vector<512x512xf32>
    %sub3A_199 = arith.subf %dot_general3A_188, %convert_element_type3A_198 : vector<512x512xf32>
    %convert_element_type3A_200 = arith.truncf %sub3A_199 : vector<512x512xf32> to vector<512x512xbf16>
    %convert_element_type3A_201 = arith.extf %convert_element_type3A_200 : vector<512x512xbf16> to vector<512x512xf32>
    %sub3A_202 = arith.subf %sub3A_199, %convert_element_type3A_201 : vector<512x512xf32>
    %convert_element_type3A_203 = arith.truncf %sub3A_202 : vector<512x512xf32> to vector<512x512xbf16>
    %concatenate3A_204 = tpu.concatenate %convert_element_type3A_197, %convert_element_type3A_197, %convert_element_type3A_200, %convert_element_type3A_197, %convert_element_type3A_200, %convert_element_type3A_203 in 1 : vector<512x512xbf16>, vector<512x512xbf16>, vector<512x512xbf16>, vector<512x512xbf16>, vector<512x512xbf16>, vector<512x512xbf16> -> vector<512x3072xbf16>
    %dot_general3A_205 = arith.constant dense<0.000000e+00> : vector<512x512xf32>
    %dot_general3A_206 = tpu.matmul %concatenate3A_196, %get3A_7, %dot_general3A_205 {dimension_numbers = #tpu.dot_dimension_numbers<[1], [0], [0], [1], [0, 0, 1, 1], [], []>, transpose_lhs_hint = false} : vector<512x3072xbf16>, vector<3072x512xbf16>, vector<512x512xf32> -> vector<512x512xf32>
    %dot_general3A_207 = arith.constant dense<0.000000e+00> : vector<512x512xf32>
    %dot_general3A_208 = tpu.matmul %concatenate3A_204, %get3A_10, %dot_general3A_207 {dimension_numbers = #tpu.dot_dimension_numbers<[1], [0], [0], [1], [0, 0, 1, 1], [], []>, transpose_lhs_hint = false} : vector<512x3072xbf16>, vector<3072x512xbf16>, vector<512x512xf32> -> vector<512x512xf32>
    %sub3A_209 = arith.subf %dot_general3A_206, %dot_general3A_208 : vector<512x512xf32>
    %dot_general3A_210 = arith.constant dense<0.000000e+00> : vector<512x512xf32>
    %dot_general3A_211 = tpu.matmul %concatenate3A_196, %get3A_10, %dot_general3A_210 {dimension_numbers = #tpu.dot_dimension_numbers<[1], [0], [0], [1], [0, 0, 1, 1], [], []>, transpose_lhs_hint = false} : vector<512x3072xbf16>, vector<3072x512xbf16>, vector<512x512xf32> -> vector<512x512xf32>
    %dot_general3A_212 = arith.constant dense<0.000000e+00> : vector<512x512xf32>
    %dot_general3A_213 = tpu.matmul %concatenate3A_204, %get3A_7, %dot_general3A_212 {dimension_numbers = #tpu.dot_dimension_numbers<[1], [0], [0], [1], [0, 0, 1, 1], [], []>, transpose_lhs_hint = false} : vector<512x3072xbf16>, vector<3072x512xbf16>, vector<512x512xf32> -> vector<512x512xf32>
    %add3A_214 = arith.addf %dot_general3A_211, %dot_general3A_213 : vector<512x512xf32>
    %mul3A_215 = arith.mulf %sub3A_209, %sub3A_209 : vector<512x512xf32>
    %mul3A_216 = arith.mulf %add3A_214, %add3A_214 : vector<512x512xf32>
    %add3A_217 = arith.addf %mul3A_215, %mul3A_216 : vector<512x512xf32>
    %sqrt3A_218 = math.sqrt %add3A_217 : vector<512x512xf32>
    %mul3A_219 = arith.constant 0.001953125 : f32
    %mul3A_220 = vector.broadcast %mul3A_219 : f32 to vector<512x512xf32>
    %mul3A_221 = arith.mulf %sqrt3A_218, %mul3A_220 : vector<512x512xf32>
    %swap3A_222 = arith.constant 0 : index
    %swap3A_223 = arith.constant 2 : index
    %swap3A_224 = arith.constant 0 : index
    %swap3A_225 = arith.constant 0 : index
    %swap3A_226 = vector.load %arg10[%swap3A_222, %swap3A_223, %swap3A_224, %swap3A_225] : memref<1x3x512x512xf32, #tpu.memory_space<vmem>>, vector<1x1x512x512xf32>
    %swap3A_227 = vector.shape_cast %swap3A_226 : vector<1x1x512x512xf32> to vector<512x512xf32>
    %swap3A_228 = vector.shape_cast %mul3A_221 : vector<512x512xf32> to vector<1x1x512x512xf32>
    tpu.vector_store %arg10[%swap3A_222, %swap3A_223, %swap3A_224, %swap3A_225], %swap3A_228 {strides = array<i32>} : memref<1x3x512x512xf32, #tpu.memory_space<vmem>>, vector<1x1x512x512xf32>,
    %convert_element_type3A_229 = arith.truncf %mul3A_221 : vector<512x512xf32> to vector<512x512xbf16>
    %convert_element_type3A_230 = arith.extf %convert_element_type3A_229 : vector<512x512xbf16> to vector<512x512xf32>
    %sub3A_231 = arith.subf %mul3A_221, %convert_element_type3A_230 : vector<512x512xf32>
    %convert_element_type3A_232 = arith.truncf %sub3A_231 : vector<512x512xf32> to vector<512x512xbf16>
    %convert_element_type3A_233 = arith.extf %convert_element_type3A_232 : vector<512x512xbf16> to vector<512x512xf32>
    %sub3A_234 = arith.subf %sub3A_231, %convert_element_type3A_233 : vector<512x512xf32>
    %convert_element_type3A_235 = arith.truncf %sub3A_234 : vector<512x512xf32> to vector<512x512xbf16>
    %concatenate3A_236 = tpu.concatenate %convert_element_type3A_229, %convert_element_type3A_232, %convert_element_type3A_235 in 0 : vector<512x512xbf16>, vector<512x512xbf16>, vector<512x512xbf16> -> vector<1536x512xbf16>
    %get3A_237 = arith.constant 0 : index
    %get3A_238 = arith.constant 0 : index
    %get3A_239 = vector.load %arg6[%get3A_237, %get3A_238] : memref<32x1536xbf16, #tpu.memory_space<vmem>>, vector<32x1536xbf16>
    %dot_general3A_240 = arith.constant dense<0.000000e+00> : vector<32x512xf32>
    %dot_general3A_241 = tpu.matmul %get3A_239, %concatenate3A_236, %dot_general3A_240 {dimension_numbers = #tpu.dot_dimension_numbers<[1], [0], [0], [1], [0, 0, 1, 1], [], []>, transpose_lhs_hint = false} : vector<32x1536xbf16>, vector<1536x512xbf16>, vector<32x512xf32> -> vector<32x512xf32>
    %convert_element_type3A_242 = arith.truncf %dot_general3A_241 : vector<32x512xf32> to vector<32x512xbf16>
    %convert_element_type3A_243 = arith.extf %convert_element_type3A_242 : vector<32x512xbf16> to vector<32x512xf32>
    %sub3A_244 = arith.subf %dot_general3A_241, %convert_element_type3A_243 : vector<32x512xf32>
    %convert_element_type3A_245 = arith.truncf %sub3A_244 : vector<32x512xf32> to vector<32x512xbf16>
    %convert_element_type3A_246 = arith.extf %convert_element_type3A_245 : vector<32x512xbf16> to vector<32x512xf32>
    %sub3A_247 = arith.subf %sub3A_244, %convert_element_type3A_246 : vector<32x512xf32>
    %convert_element_type3A_248 = arith.truncf %sub3A_247 : vector<32x512xf32> to vector<32x512xbf16>
    %concatenate3A_249 = tpu.concatenate %convert_element_type3A_242, %convert_element_type3A_245, %convert_element_type3A_248 in 1 : vector<32x512xbf16>, vector<32x512xbf16>, vector<32x512xbf16> -> vector<32x1536xbf16>
    %get3A_250 = arith.constant 0 : index
    %get3A_251 = arith.constant 0 : index
    %get3A_252 = vector.load %arg7[%get3A_250, %get3A_251] : memref<1536x32xbf16, #tpu.memory_space<vmem>>, vector<1536x32xbf16>
    %dot_general3A_253 = arith.constant dense<0.000000e+00> : vector<32x32xf32>
    %dot_general3A_254 = tpu.matmul %concatenate3A_249, %get3A_252, %dot_general3A_253 {dimension_numbers = #tpu.dot_dimension_numbers<[1], [0], [0], [1], [0, 0, 1, 1], [], []>, transpose_lhs_hint = false} : vector<32x1536xbf16>, vector<1536x32xbf16>, vector<32x32xf32> -> vector<32x32xf32>
    %add3A_255 = arith.addf %dot_general3A_86, %dot_general3A_170 : vector<32x32xf32>
    %add3A_256 = arith.addf %add3A_255, %dot_general3A_254 : vector<32x32xf32>
    %mul3A_257 = arith.constant 0.00130208337 : f32
    %mul3A_258 = vector.broadcast %mul3A_257 : f32 to vector<32x32xf32>
    %mul3A_259 = arith.mulf %add3A_256, %mul3A_258 : vector<32x32xf32>
    %swap3A_260 = arith.constant 0 : index
    %swap3A_261 = arith.constant 0 : index
    %swap3A_262 = arith.constant 0 : index
    %swap3A_263 = vector.load %arg11[%swap3A_260, %swap3A_261, %swap3A_262] : memref<1x32x32xf32, #tpu.memory_space<vmem>>, vector<1x32x32xf32>
    %swap3A_264 = vector.shape_cast %swap3A_263 : vector<1x32x32xf32> to vector<32x32xf32>
    %swap3A_265 = vector.shape_cast %mul3A_259 : vector<32x32xf32> to vector<1x32x32xf32>
    tpu.vector_store %arg11[%swap3A_260, %swap3A_261, %swap3A_262], %swap3A_265 {strides = array<i32>} : memref<1x32x32xf32, #tpu.memory_space<vmem>>, vector<1x32x32xf32>,
    %mul3A_266 = arith.mulf %mul3A_54, %mul3A_54 : vector<512x512xf32>
    %convert_element_type3A_267 = arith.truncf %mul3A_266 : vector<512x512xf32> to vector<512x512xbf16>
    %convert_element_type3A_268 = arith.extf %convert_element_type3A_267 : vector<512x512xbf16> to vector<512x512xf32>
    %sub3A_269 = arith.subf %mul3A_266, %convert_element_type3A_268 : vector<512x512xf32>
    %convert_element_type3A_270 = arith.truncf %sub3A_269 : vector<512x512xf32> to vector<512x512xbf16>
    %convert_element_type3A_271 = arith.extf %convert_element_type3A_270 : vector<512x512xbf16> to vector<512x512xf32>
    %sub3A_272 = arith.subf %sub3A_269, %convert_element_type3A_271 : vector<512x512xf32>
    %convert_element_type3A_273 = arith.truncf %sub3A_272 : vector<512x512xf32> to vector<512x512xbf16>
    %concatenate3A_274 = tpu.concatenate %convert_element_type3A_267, %convert_element_type3A_270, %convert_element_type3A_273 in 0 : vector<512x512xbf16>, vector<512x512xbf16>, vector<512x512xbf16> -> vector<1536x512xbf16>
    %get3A_275 = arith.constant 0 : index
    %get3A_276 = arith.constant 0 : index
    %get3A_277 = vector.load %arg6[%get3A_275, %get3A_276] : memref<32x1536xbf16, #tpu.memory_space<vmem>>, vector<32x1536xbf16>
    %dot_general3A_278 = arith.constant dense<0.000000e+00> : vector<32x512xf32>
    %dot_general3A_279 = tpu.matmul %get3A_277, %concatenate3A_274, %dot_general3A_278 {dimension_numbers = #tpu.dot_dimension_numbers<[1], [0], [0], [1], [0, 0, 1, 1], [], []>, transpose_lhs_hint = false} : vector<32x1536xbf16>, vector<1536x512xbf16>, vector<32x512xf32> -> vector<32x512xf32>
    %convert_element_type3A_280 = arith.truncf %dot_general3A_279 : vector<32x512xf32> to vector<32x512xbf16>
    %convert_element_type3A_281 = arith.extf %convert_element_type3A_280 : vector<32x512xbf16> to vector<32x512xf32>
    %sub3A_282 = arith.subf %dot_general3A_279, %convert_element_type3A_281 : vector<32x512xf32>
    %convert_element_type3A_283 = arith.truncf %sub3A_282 : vector<32x512xf32> to vector<32x512xbf16>
    %convert_element_type3A_284 = arith.extf %convert_element_type3A_283 : vector<32x512xbf16> to vector<32x512xf32>
    %sub3A_285 = arith.subf %sub3A_282, %convert_element_type3A_284 : vector<32x512xf32>
    %convert_element_type3A_286 = arith.truncf %sub3A_285 : vector<32x512xf32> to vector<32x512xbf16>
    %concatenate3A_287 = tpu.concatenate %convert_element_type3A_280, %convert_element_type3A_283, %convert_element_type3A_286 in 1 : vector<32x512xbf16>, vector<32x512xbf16>, vector<32x512xbf16> -> vector<32x1536xbf16>
    %get3A_288 = arith.constant 0 : index
    %get3A_289 = arith.constant 0 : index
    %get3A_290 = vector.load %arg7[%get3A_288, %get3A_289] : memref<1536x32xbf16, #tpu.memory_space<vmem>>, vector<1536x32xbf16>
    %dot_general3A_291 = arith.constant dense<0.000000e+00> : vector<32x32xf32>
    %dot_general3A_292 = tpu.matmul %concatenate3A_287, %get3A_290, %dot_general3A_291 {dimension_numbers = #tpu.dot_dimension_numbers<[1], [0], [0], [1], [0, 0, 1, 1], [], []>, transpose_lhs_hint = false} : vector<32x1536xbf16>, vector<1536x32xbf16>, vector<32x32xf32> -> vector<32x32xf32>
    %mul3A_293 = arith.mulf %mul3A_54, %mul3A_137 : vector<512x512xf32>
    %convert_element_type3A_294 = arith.truncf %mul3A_293 : vector<512x512xf32> to vector<512x512xbf16>
    %convert_element_type3A_295 = arith.extf %convert_element_type3A_294 : vector<512x512xbf16> to vector<512x512xf32>
    %sub3A_296 = arith.subf %mul3A_293, %convert_element_type3A_295 : vector<512x512xf32>
    %convert_element_type3A_297 = arith.truncf %sub3A_296 : vector<512x512xf32> to vector<512x512xbf16>
    %convert_element_type3A_298 = arith.extf %convert_element_type3A_297 : vector<512x512xbf16> to vector<512x512xf32>
    %sub3A_299 = arith.subf %sub3A_296, %convert_element_type3A_298 : vector<512x512xf32>
    %convert_element_type3A_300 = arith.truncf %sub3A_299 : vector<512x512xf32> to vector<512x512xbf16>
    %concatenate3A_301 = tpu.concatenate %convert_element_type3A_294, %convert_element_type3A_297, %convert_element_type3A_300 in 0 : vector<512x512xbf16>, vector<512x512xbf16>, vector<512x512xbf16> -> vector<1536x512xbf16>
    %get3A_302 = arith.constant 0 : index
    %get3A_303 = arith.constant 0 : index
    %get3A_304 = vector.load %arg6[%get3A_302, %get3A_303] : memref<32x1536xbf16, #tpu.memory_space<vmem>>, vector<32x1536xbf16>
    %dot_general3A_305 = arith.constant dense<0.000000e+00> : vector<32x512xf32>
    %dot_general3A_306 = tpu.matmul %get3A_304, %concatenate3A_301, %dot_general3A_305 {dimension_numbers = #tpu.dot_dimension_numbers<[1], [0], [0], [1], [0, 0, 1, 1], [], []>, transpose_lhs_hint = false} : vector<32x1536xbf16>, vector<1536x512xbf16>, vector<32x512xf32> -> vector<32x512xf32>
    %convert_element_type3A_307 = arith.truncf %dot_general3A_306 : vector<32x512xf32> to vector<32x512xbf16>
    %convert_element_type3A_308 = arith.extf %convert_element_type3A_307 : vector<32x512xbf16> to vector<32x512xf32>
    %sub3A_309 = arith.subf %dot_general3A_306, %convert_element_type3A_308 : vector<32x512xf32>
    %convert_element_type3A_310 = arith.truncf %sub3A_309 : vector<32x512xf32> to vector<32x512xbf16>
    %convert_element_type3A_311 = arith.extf %convert_element_type3A_310 : vector<32x512xbf16> to vector<32x512xf32>
    %sub3A_312 = arith.subf %sub3A_309, %convert_element_type3A_311 : vector<32x512xf32>
    %convert_element_type3A_313 = arith.truncf %sub3A_312 : vector<32x512xf32> to vector<32x512xbf16>
    %concatenate3A_314 = tpu.concatenate %convert_element_type3A_307, %convert_element_type3A_310, %convert_element_type3A_313 in 1 : vector<32x512xbf16>, vector<32x512xbf16>, vector<32x512xbf16> -> vector<32x1536xbf16>
    %get3A_315 = arith.constant 0 : index
    %get3A_316 = arith.constant 0 : index
    %get3A_317 = vector.load %arg7[%get3A_315, %get3A_316] : memref<1536x32xbf16, #tpu.memory_space<vmem>>, vector<1536x32xbf16>
    %dot_general3A_318 = arith.constant dense<0.000000e+00> : vector<32x32xf32>
    %dot_general3A_319 = tpu.matmul %concatenate3A_314, %get3A_317, %dot_general3A_318 {dimension_numbers = #tpu.dot_dimension_numbers<[1], [0], [0], [1], [0, 0, 1, 1], [], []>, transpose_lhs_hint = false} : vector<32x1536xbf16>, vector<1536x32xbf16>, vector<32x32xf32> -> vector<32x32xf32>
    %mul3A_320 = arith.mulf %mul3A_54, %mul3A_221 : vector<512x512xf32>
    %convert_element_type3A_321 = arith.truncf %mul3A_320 : vector<512x512xf32> to vector<512x512xbf16>
    %convert_element_type3A_322 = arith.extf %convert_element_type3A_321 : vector<512x512xbf16> to vector<512x512xf32>
    %sub3A_323 = arith.subf %mul3A_320, %convert_element_type3A_322 : vector<512x512xf32>
    %convert_element_type3A_324 = arith.truncf %sub3A_323 : vector<512x512xf32> to vector<512x512xbf16>
    %convert_element_type3A_325 = arith.extf %convert_element_type3A_324 : vector<512x512xbf16> to vector<512x512xf32>
    %sub3A_326 = arith.subf %sub3A_323, %convert_element_type3A_325 : vector<512x512xf32>
    %convert_element_type3A_327 = arith.truncf %sub3A_326 : vector<512x512xf32> to vector<512x512xbf16>
    %concatenate3A_328 = tpu.concatenate %convert_element_type3A_321, %convert_element_type3A_324, %convert_element_type3A_327 in 0 : vector<512x512xbf16>, vector<512x512xbf16>, vector<512x512xbf16> -> vector<1536x512xbf16>
    %get3A_329 = arith.constant 0 : index
    %get3A_330 = arith.constant 0 : index
    %get3A_331 = vector.load %arg6[%get3A_329, %get3A_330] : memref<32x1536xbf16, #tpu.memory_space<vmem>>, vector<32x1536xbf16>
    %dot_general3A_332 = arith.constant dense<0.000000e+00> : vector<32x512xf32>
    %dot_general3A_333 = tpu.matmul %get3A_331, %concatenate3A_328, %dot_general3A_332 {dimension_numbers = #tpu.dot_dimension_numbers<[1], [0], [0], [1], [0, 0, 1, 1], [], []>, transpose_lhs_hint = false} : vector<32x1536xbf16>, vector<1536x512xbf16>, vector<32x512xf32> -> vector<32x512xf32>
    %convert_element_type3A_334 = arith.truncf %dot_general3A_333 : vector<32x512xf32> to vector<32x512xbf16>
    %convert_element_type3A_335 = arith.extf %convert_element_type3A_334 : vector<32x512xbf16> to vector<32x512xf32>
    %sub3A_336 = arith.subf %dot_general3A_333, %convert_element_type3A_335 : vector<32x512xf32>
    %convert_element_type3A_337 = arith.truncf %sub3A_336 : vector<32x512xf32> to vector<32x512xbf16>
    %convert_element_type3A_338 = arith.extf %convert_element_type3A_337 : vector<32x512xbf16> to vector<32x512xf32>
    %sub3A_339 = arith.subf %sub3A_336, %convert_element_type3A_338 : vector<32x512xf32>
    %convert_element_type3A_340 = arith.truncf %sub3A_339 : vector<32x512xf32> to vector<32x512xbf16>
    %concatenate3A_341 = tpu.concatenate %convert_element_type3A_334, %convert_element_type3A_337, %convert_element_type3A_340 in 1 : vector<32x512xbf16>, vector<32x512xbf16>, vector<32x512xbf16> -> vector<32x1536xbf16>
    %get3A_342 = arith.constant 0 : index
    %get3A_343 = arith.constant 0 : index
    %get3A_344 = vector.load %arg7[%get3A_342, %get3A_343] : memref<1536x32xbf16, #tpu.memory_space<vmem>>, vector<1536x32xbf16>
    %dot_general3A_345 = arith.constant dense<0.000000e+00> : vector<32x32xf32>
    %dot_general3A_346 = tpu.matmul %concatenate3A_341, %get3A_344, %dot_general3A_345 {dimension_numbers = #tpu.dot_dimension_numbers<[1], [0], [0], [1], [0, 0, 1, 1], [], []>, transpose_lhs_hint = false} : vector<32x1536xbf16>, vector<1536x32xbf16>, vector<32x32xf32> -> vector<32x32xf32>
    %mul3A_347 = arith.mulf %mul3A_137, %mul3A_137 : vector<512x512xf32>
    %convert_element_type3A_348 = arith.truncf %mul3A_347 : vector<512x512xf32> to vector<512x512xbf16>
    %convert_element_type3A_349 = arith.extf %convert_element_type3A_348 : vector<512x512xbf16> to vector<512x512xf32>
    %sub3A_350 = arith.subf %mul3A_347, %convert_element_type3A_349 : vector<512x512xf32>
    %convert_element_type3A_351 = arith.truncf %sub3A_350 : vector<512x512xf32> to vector<512x512xbf16>
    %convert_element_type3A_352 = arith.extf %convert_element_type3A_351 : vector<512x512xbf16> to vector<512x512xf32>
    %sub3A_353 = arith.subf %sub3A_350, %convert_element_type3A_352 : vector<512x512xf32>
    %convert_element_type3A_354 = arith.truncf %sub3A_353 : vector<512x512xf32> to vector<512x512xbf16>
    %concatenate3A_355 = tpu.concatenate %convert_element_type3A_348, %convert_element_type3A_351, %convert_element_type3A_354 in 0 : vector<512x512xbf16>, vector<512x512xbf16>, vector<512x512xbf16> -> vector<1536x512xbf16>
    %get3A_356 = arith.constant 0 : index
    %get3A_357 = arith.constant 0 : index
    %get3A_358 = vector.load %arg6[%get3A_356, %get3A_357] : memref<32x1536xbf16, #tpu.memory_space<vmem>>, vector<32x1536xbf16>
    %dot_general3A_359 = arith.constant dense<0.000000e+00> : vector<32x512xf32>
    %dot_general3A_360 = tpu.matmul %get3A_358, %concatenate3A_355, %dot_general3A_359 {dimension_numbers = #tpu.dot_dimension_numbers<[1], [0], [0], [1], [0, 0, 1, 1], [], []>, transpose_lhs_hint = false} : vector<32x1536xbf16>, vector<1536x512xbf16>, vector<32x512xf32> -> vector<32x512xf32>
    %convert_element_type3A_361 = arith.truncf %dot_general3A_360 : vector<32x512xf32> to vector<32x512xbf16>
    %convert_element_type3A_362 = arith.extf %convert_element_type3A_361 : vector<32x512xbf16> to vector<32x512xf32>
    %sub3A_363 = arith.subf %dot_general3A_360, %convert_element_type3A_362 : vector<32x512xf32>
    %convert_element_type3A_364 = arith.truncf %sub3A_363 : vector<32x512xf32> to vector<32x512xbf16>
    %convert_element_type3A_365 = arith.extf %convert_element_type3A_364 : vector<32x512xbf16> to vector<32x512xf32>
    %sub3A_366 = arith.subf %sub3A_363, %convert_element_type3A_365 : vector<32x512xf32>
    %convert_element_type3A_367 = arith.truncf %sub3A_366 : vector<32x512xf32> to vector<32x512xbf16>
    %concatenate3A_368 = tpu.concatenate %convert_element_type3A_361, %convert_element_type3A_364, %convert_element_type3A_367 in 1 : vector<32x512xbf16>, vector<32x512xbf16>, vector<32x512xbf16> -> vector<32x1536xbf16>
    %get3A_369 = arith.constant 0 : index
    %get3A_370 = arith.constant 0 : index
    %get3A_371 = vector.load %arg7[%get3A_369, %get3A_370] : memref<1536x32xbf16, #tpu.memory_space<vmem>>, vector<1536x32xbf16>
    %dot_general3A_372 = arith.constant dense<0.000000e+00> : vector<32x32xf32>
    %dot_general3A_373 = tpu.matmul %concatenate3A_368, %get3A_371, %dot_general3A_372 {dimension_numbers = #tpu.dot_dimension_numbers<[1], [0], [0], [1], [0, 0, 1, 1], [], []>, transpose_lhs_hint = false} : vector<32x1536xbf16>, vector<1536x32xbf16>, vector<32x32xf32> -> vector<32x32xf32>
    %mul3A_374 = arith.mulf %mul3A_137, %mul3A_221 : vector<512x512xf32>
    %convert_element_type3A_375 = arith.truncf %mul3A_374 : vector<512x512xf32> to vector<512x512xbf16>
    %convert_element_type3A_376 = arith.extf %convert_element_type3A_375 : vector<512x512xbf16> to vector<512x512xf32>
    %sub3A_377 = arith.subf %mul3A_374, %convert_element_type3A_376 : vector<512x512xf32>
    %convert_element_type3A_378 = arith.truncf %sub3A_377 : vector<512x512xf32> to vector<512x512xbf16>
    %convert_element_type3A_379 = arith.extf %convert_element_type3A_378 : vector<512x512xbf16> to vector<512x512xf32>
    %sub3A_380 = arith.subf %sub3A_377, %convert_element_type3A_379 : vector<512x512xf32>
    %convert_element_type3A_381 = arith.truncf %sub3A_380 : vector<512x512xf32> to vector<512x512xbf16>
    %concatenate3A_382 = tpu.concatenate %convert_element_type3A_375, %convert_element_type3A_378, %convert_element_type3A_381 in 0 : vector<512x512xbf16>, vector<512x512xbf16>, vector<512x512xbf16> -> vector<1536x512xbf16>
    %get3A_383 = arith.constant 0 : index
    %get3A_384 = arith.constant 0 : index
    %get3A_385 = vector.load %arg6[%get3A_383, %get3A_384] : memref<32x1536xbf16, #tpu.memory_space<vmem>>, vector<32x1536xbf16>
    %dot_general3A_386 = arith.constant dense<0.000000e+00> : vector<32x512xf32>
    %dot_general3A_387 = tpu.matmul %get3A_385, %concatenate3A_382, %dot_general3A_386 {dimension_numbers = #tpu.dot_dimension_numbers<[1], [0], [0], [1], [0, 0, 1, 1], [], []>, transpose_lhs_hint = false} : vector<32x1536xbf16>, vector<1536x512xbf16>, vector<32x512xf32> -> vector<32x512xf32>
    %convert_element_type3A_388 = arith.truncf %dot_general3A_387 : vector<32x512xf32> to vector<32x512xbf16>
    %convert_element_type3A_389 = arith.extf %convert_element_type3A_388 : vector<32x512xbf16> to vector<32x512xf32>
    %sub3A_390 = arith.subf %dot_general3A_387, %convert_element_type3A_389 : vector<32x512xf32>
    %convert_element_type3A_391 = arith.truncf %sub3A_390 : vector<32x512xf32> to vector<32x512xbf16>
    %convert_element_type3A_392 = arith.extf %convert_element_type3A_391 : vector<32x512xbf16> to vector<32x512xf32>
    %sub3A_393 = arith.subf %sub3A_390, %convert_element_type3A_392 : vector<32x512xf32>
    %convert_element_type3A_394 = arith.truncf %sub3A_393 : vector<32x512xf32> to vector<32x512xbf16>
    %concatenate3A_395 = tpu.concatenate %convert_element_type3A_388, %convert_element_type3A_391, %convert_element_type3A_394 in 1 : vector<32x512xbf16>, vector<32x512xbf16>, vector<32x512xbf16> -> vector<32x1536xbf16>
    %get3A_396 = arith.constant 0 : index
    %get3A_397 = arith.constant 0 : index
    %get3A_398 = vector.load %arg7[%get3A_396, %get3A_397] : memref<1536x32xbf16, #tpu.memory_space<vmem>>, vector<1536x32xbf16>
    %dot_general3A_399 = arith.constant dense<0.000000e+00> : vector<32x32xf32>
    %dot_general3A_400 = tpu.matmul %concatenate3A_395, %get3A_398, %dot_general3A_399 {dimension_numbers = #tpu.dot_dimension_numbers<[1], [0], [0], [1], [0, 0, 1, 1], [], []>, transpose_lhs_hint = false} : vector<32x1536xbf16>, vector<1536x32xbf16>, vector<32x32xf32> -> vector<32x32xf32>
    %mul3A_401 = arith.mulf %mul3A_221, %mul3A_221 : vector<512x512xf32>
    %convert_element_type3A_402 = arith.truncf %mul3A_401 : vector<512x512xf32> to vector<512x512xbf16>
    %convert_element_type3A_403 = arith.extf %convert_element_type3A_402 : vector<512x512xbf16> to vector<512x512xf32>
    %sub3A_404 = arith.subf %mul3A_401, %convert_element_type3A_403 : vector<512x512xf32>
    %convert_element_type3A_405 = arith.truncf %sub3A_404 : vector<512x512xf32> to vector<512x512xbf16>
    %convert_element_type3A_406 = arith.extf %convert_element_type3A_405 : vector<512x512xbf16> to vector<512x512xf32>
    %sub3A_407 = arith.subf %sub3A_404, %convert_element_type3A_406 : vector<512x512xf32>
    %convert_element_type3A_408 = arith.truncf %sub3A_407 : vector<512x512xf32> to vector<512x512xbf16>
    %concatenate3A_409 = tpu.concatenate %convert_element_type3A_402, %convert_element_type3A_405, %convert_element_type3A_408 in 0 : vector<512x512xbf16>, vector<512x512xbf16>, vector<512x512xbf16> -> vector<1536x512xbf16>
    %get3A_410 = arith.constant 0 : index
    %get3A_411 = arith.constant 0 : index
    %get3A_412 = vector.load %arg6[%get3A_410, %get3A_411] : memref<32x1536xbf16, #tpu.memory_space<vmem>>, vector<32x1536xbf16>
    %dot_general3A_413 = arith.constant dense<0.000000e+00> : vector<32x512xf32>
    %dot_general3A_414 = tpu.matmul %get3A_412, %concatenate3A_409, %dot_general3A_413 {dimension_numbers = #tpu.dot_dimension_numbers<[1], [0], [0], [1], [0, 0, 1, 1], [], []>, transpose_lhs_hint = false} : vector<32x1536xbf16>, vector<1536x512xbf16>, vector<32x512xf32> -> vector<32x512xf32>
    %convert_element_type3A_415 = arith.truncf %dot_general3A_414 : vector<32x512xf32> to vector<32x512xbf16>
    %convert_element_type3A_416 = arith.extf %convert_element_type3A_415 : vector<32x512xbf16> to vector<32x512xf32>
    %sub3A_417 = arith.subf %dot_general3A_414, %convert_element_type3A_416 : vector<32x512xf32>
    %convert_element_type3A_418 = arith.truncf %sub3A_417 : vector<32x512xf32> to vector<32x512xbf16>
    %convert_element_type3A_419 = arith.extf %convert_element_type3A_418 : vector<32x512xbf16> to vector<32x512xf32>
    %sub3A_420 = arith.subf %sub3A_417, %convert_element_type3A_419 : vector<32x512xf32>
    %convert_element_type3A_421 = arith.truncf %sub3A_420 : vector<32x512xf32> to vector<32x512xbf16>
    %concatenate3A_422 = tpu.concatenate %convert_element_type3A_415, %convert_element_type3A_418, %convert_element_type3A_421 in 1 : vector<32x512xbf16>, vector<32x512xbf16>, vector<32x512xbf16> -> vector<32x1536xbf16>
    %get3A_423 = arith.constant 0 : index
    %get3A_424 = arith.constant 0 : index
    %get3A_425 = vector.load %arg7[%get3A_423, %get3A_424] : memref<1536x32xbf16, #tpu.memory_space<vmem>>, vector<1536x32xbf16>
    %dot_general3A_426 = arith.constant dense<0.000000e+00> : vector<32x32xf32>
    %dot_general3A_427 = tpu.matmul %concatenate3A_422, %get3A_425, %dot_general3A_426 {dimension_numbers = #tpu.dot_dimension_numbers<[1], [0], [0], [1], [0, 0, 1, 1], [], []>, transpose_lhs_hint = false} : vector<32x1536xbf16>, vector<1536x32xbf16>, vector<32x32xf32> -> vector<32x32xf32>
    %concatenate3A_428 = tpu.concatenate %dot_general3A_86, %dot_general3A_170, %dot_general3A_254, %dot_general3A_292, %dot_general3A_319, %dot_general3A_346, %dot_general3A_373, %dot_general3A_400, %dot_general3A_427 in 1 : vector<32x32xf32>, vector<32x32xf32>, vector<32x32xf32>, vector<32x32xf32>, vector<32x32xf32>, vector<32x32xf32>, vector<32x32xf32>, vector<32x32xf32>, vector<32x32xf32> -> vector<32x288xf32>
    %get3A_429 = arith.constant 0 : index
    %get3A_430 = arith.constant 0 : index
    %get3A_431 = vector.load %arg8[%get3A_429, %get3A_430] : memref<8x96xbf16, #tpu.memory_space<vmem>>, vector<8x96xbf16>
    %convert_element_type3A_432 = arith.truncf %concatenate3A_428 : vector<32x288xf32> to vector<32x288xbf16>
    %convert_element_type3A_433 = arith.extf %convert_element_type3A_432 : vector<32x288xbf16> to vector<32x288xf32>
    %sub3A_434 = arith.subf %concatenate3A_428, %convert_element_type3A_433 : vector<32x288xf32>
    %convert_element_type3A_435 = arith.truncf %sub3A_434 : vector<32x288xf32> to vector<32x288xbf16>
    %convert_element_type3A_436 = arith.extf %convert_element_type3A_435 : vector<32x288xbf16> to vector<32x288xf32>
    %sub3A_437 = arith.subf %sub3A_434, %convert_element_type3A_436 : vector<32x288xf32>
    %convert_element_type3A_438 = arith.truncf %sub3A_437 : vector<32x288xf32> to vector<32x288xbf16>
    %concatenate3A_439 = tpu.concatenate %convert_element_type3A_432, %convert_element_type3A_435, %convert_element_type3A_438 in 0 : vector<32x288xbf16>, vector<32x288xbf16>, vector<32x288xbf16> -> vector<96x288xbf16>
    %dot_general3A_440 = arith.constant dense<0.000000e+00> : vector<8x288xf32>
    %dot_general3A_441 = tpu.matmul %get3A_431, %concatenate3A_439, %dot_general3A_440 {dimension_numbers = #tpu.dot_dimension_numbers<[1], [0], [0], [1], [0, 0, 1, 1], [], []>, transpose_lhs_hint = false} : vector<8x96xbf16>, vector<96x288xbf16>, vector<8x288xf32> -> vector<8x288xf32>
    %convert_element_type3A_442 = arith.truncf %dot_general3A_441 : vector<8x288xf32> to vector<8x288xbf16>
    %convert_element_type3A_443 = arith.extf %convert_element_type3A_442 : vector<8x288xbf16> to vector<8x288xf32>
    %sub3A_444 = arith.subf %dot_general3A_441, %convert_element_type3A_443 : vector<8x288xf32>
    %convert_element_type3A_445 = arith.truncf %sub3A_444 : vector<8x288xf32> to vector<8x288xbf16>
    %convert_element_type3A_446 = arith.extf %convert_element_type3A_445 : vector<8x288xbf16> to vector<8x288xf32>
    %sub3A_447 = arith.subf %sub3A_444, %convert_element_type3A_446 : vector<8x288xf32>
    %convert_element_type3A_448 = arith.truncf %sub3A_447 : vector<8x288xf32> to vector<8x288xbf16>
    %concatenate3A_449 = tpu.concatenate %convert_element_type3A_442, %convert_element_type3A_445, %convert_element_type3A_448 in 1 : vector<8x288xbf16>, vector<8x288xbf16>, vector<8x288xbf16> -> vector<8x864xbf16>
    %get3A_450 = arith.constant 0 : index
    %get3A_451 = arith.constant 0 : index
    %get3A_452 = vector.load %arg9[%get3A_450, %get3A_451] : memref<864x16xbf16, #tpu.memory_space<vmem>>, vector<864x16xbf16>
    %dot_general3A_453 = arith.constant dense<0.000000e+00> : vector<8x16xf32>
    %dot_general3A_454 = tpu.matmul %concatenate3A_449, %get3A_452, %dot_general3A_453 {dimension_numbers = #tpu.dot_dimension_numbers<[1], [0], [0], [1], [0, 0, 1, 1], [], []>, transpose_lhs_hint = false} : vector<8x864xbf16>, vector<864x16xbf16>, vector<8x16xf32> -> vector<8x16xf32>
    %slice3A = vector.extract_strided_slice %dot_general3A_454 {offsets = [0, 0], sizes = [1, 16], strides = [1, 1]} : vector<8x16xf32> to vector<1x16xf32>
    %swap3A_455 = arith.constant 0 : index
    %swap3A_456 = arith.constant 0 : index
    %swap3A_457 = arith.constant 0 : index
    %swap3A_458 = vector.load %arg12[%swap3A_455, %swap3A_456, %swap3A_457] : memref<1x1x16xf32, #tpu.memory_space<vmem>>, vector<1x1x16xf32>
    %swap3A_459 = vector.shape_cast %swap3A_458 : vector<1x1x16xf32> to vector<1x16xf32>
    %swap3A_460 = vector.shape_cast %slice3A : vector<1x16xf32> to vector<1x1x16xf32>
    tpu.vector_store %arg12[%swap3A_455, %swap3A_456, %swap3A_457], %swap3A_460 {strides = array<i32>} : memref<1x1x16xf32, #tpu.memory_space<vmem>>, vector<1x1x16xf32>,
    return
  }
  func.func @transform_0(%arg0: i32) -> (i32, i32, i32, i32) {
    %c0_i32 = arith.constant 0 : i32
    %c0_i32_0 = arith.constant 0 : i32
    %c0_i32_1 = arith.constant 0 : i32
    %c0_i32_2 = arith.constant 0 : i32
    return %arg0, %c0_i32, %c0_i32_0, %c0_i32_1 : i32, i32, i32, i32
  }
  func.func @transform_1(%arg0: i32) -> (i32, i32) {
    %c0_i32 = arith.constant 0 : i32
    %c0_i32_0 = arith.constant 0 : i32
    %c0_i32_1 = arith.constant 0 : i32
    return %c0_i32, %c0_i32_0 : i32, i32
  }
  func.func @transform_2(%arg0: i32) -> (i32, i32) {
    %c0_i32 = arith.constant 0 : i32
    %c0_i32_0 = arith.constant 0 : i32
    %c0_i32_1 = arith.constant 0 : i32
    return %c0_i32, %c0_i32_0 : i32, i32
  }
  func.func @transform_3(%arg0: i32) -> (i32, i32) {
    %c0_i32 = arith.constant 0 : i32
    %c0_i32_0 = arith.constant 0 : i32
    %c0_i32_1 = arith.constant 0 : i32
    return %c0_i32, %c0_i32_0 : i32, i32
  }
  func.func @transform_4(%arg0: i32) -> (i32, i32) {
    %c0_i32 = arith.constant 0 : i32
    %c0_i32_0 = arith.constant 0 : i32
    %c0_i32_1 = arith.constant 0 : i32
    return %c0_i32, %c0_i32_0 : i32, i32
  }
  func.func @transform_5(%arg0: i32) -> (i32, i32) {
    %c0_i32 = arith.constant 0 : i32
    %c0_i32_0 = arith.constant 0 : i32
    %c0_i32_1 = arith.constant 0 : i32
    return %c0_i32, %c0_i32_0 : i32, i32
  }
  func.func @transform_6(%arg0: i32) -> (i32, i32) {
    %c0_i32 = arith.constant 0 : i32
    %c0_i32_0 = arith.constant 0 : i32
    %c0_i32_1 = arith.constant 0 : i32
    return %c0_i32, %c0_i32_0 : i32, i32
  }
  func.func @transform_7(%arg0: i32) -> (i32, i32) {
    %c0_i32 = arith.constant 0 : i32
    %c0_i32_0 = arith.constant 0 : i32
    %c0_i32_1 = arith.constant 0 : i32
    return %c0_i32, %c0_i32_0 : i32, i32
  }
  func.func @transform_8(%arg0: i32) -> (i32, i32) {
    %c0_i32 = arith.constant 0 : i32
    %c0_i32_0 = arith.constant 0 : i32
    %c0_i32_1 = arith.constant 0 : i32
    return %c0_i32, %c0_i32_0 : i32, i32
  }
  func.func @transform_9(%arg0: i32) -> (i32, i32, i32, i32) {
    %c0_i32 = arith.constant 0 : i32
    %c0_i32_0 = arith.constant 0 : i32
    %c0_i32_1 = arith.constant 0 : i32
    %c0_i32_2 = arith.constant 0 : i32
    return %arg0, %c0_i32, %c0_i32_0, %c0_i32_1 : i32, i32, i32, i32
  }
  func.func @transform_10(%arg0: i32) -> (i32, i32, i32) {
    %c0_i32 = arith.constant 0 : i32
    %c0_i32_0 = arith.constant 0 : i32
    %c0_i32_1 = arith.constant 0 : i32
    return %arg0, %c0_i32, %c0_i32_0 : i32, i32, i32
  }
  func.func @transform_11(%arg0: i32) -> (i32, i32, i32) {
    %c0_i32 = arith.constant 0 : i32
    %c0_i32_0 = arith.constant 0 : i32
    %c0_i32_1 = arith.constant 0 : i32
    return %arg0, %c0_i32, %c0_i32_0 : i32, i32, i32
  }
}

module attributes {stable_mosaic.version = 14 : i64} {
  func.func @_p3(%arg0: i32, %arg1: memref<1x1x1024xf32, #tpu.memory_space<vmem>>, %arg2: memref<1x1024x1xf32, #tpu.memory_space<vmem>>) attributes {dimension_semantics = [#tpu.dimension_semantics<arbitrary>], iteration_bounds = array<i64: 32>, scalar_prefetch = 0 : i64, scratch_operands = 0 : i64, tpu.core_type = #tpu.core_type<tc>, window_params = [{transform_indices = @transform_0, window_bounds = array<i64: 1, 1, 1024>}, {transform_indices = @transform_1, window_bounds = array<i64: 1, 1024, 1>}]} {
    %get3A = arith.constant 0 : index
    %get3A_0 = arith.constant 0 : index
    %get3A_1 = arith.constant 0 : index
    %get3A_2 = vector.load %arg1[%get3A, %get3A_0, %get3A_1] : memref<1x1x1024xf32, #tpu.memory_space<vmem>>, vector<1x1x1024xf32>
    %get3A_3 = vector.shape_cast %get3A_2 : vector<1x1x1024xf32> to vector<1x1024xf32>
    %broadcast_in_dim3A = vector.shape_cast %get3A_3 : vector<1x1024xf32> to vector<1x1024xf32>
    %broadcast_in_dim3A_4 = vector.broadcast %broadcast_in_dim3A : vector<1x1024xf32> to vector<1024x1024xf32>
    %iota3A = tpu.iota {dimensions = array<i32: 0>} : vector<1024x1024xi32>
    %iota3A_5 = tpu.iota {dimensions = array<i32: 1>} : vector<1024x1024xi32>
    %eq3A = arith.cmpi eq, %iota3A, %iota3A_5 : vector<1024x1024xi32>
    %jit3A = arith.constant 0.000000e+00 : f32
    %broadcast_in_dim3A_6 = vector.broadcast %jit3A : f32 to vector<1024x1024xf32>
    %select_n3A = arith.select %eq3A, %broadcast_in_dim3A_4, %broadcast_in_dim3A_6 : vector<1024x1024xi1>, vector<1024x1024xf32>
    %reduce_sum3A = arith.constant dense<0.000000e+00> : vector<1024xf32>
    %reduce_sum3A_7 = vector.multi_reduction <add>, %select_n3A, %reduce_sum3A [1] : vector<1024x1024xf32> to vector<1024xf32>
    %broadcast_in_dim3A_8 = vector.shape_cast %reduce_sum3A_7 : vector<1024xf32> to vector<1024x1xf32>
    %gt3A = vector.broadcast %broadcast_in_dim3A_8 : vector<1024x1xf32> to vector<1024x1024xf32>
    %gt3A_9 = arith.cmpf ogt, %broadcast_in_dim3A_4, %gt3A : vector<1024x1024xf32>
    %convert_element_type3A = arith.extui %gt3A_9 : vector<1024x1024xi1> to vector<1024x1024xi32>
    %convert_element_type3A_10 = arith.sitofp %convert_element_type3A : vector<1024x1024xi32> to vector<1024x1024xf32>
    %eq3A_11 = vector.broadcast %broadcast_in_dim3A_8 : vector<1024x1xf32> to vector<1024x1024xf32>
    %eq3A_12 = arith.cmpf oeq, %broadcast_in_dim3A_4, %eq3A_11 : vector<1024x1024xf32>
    %lt3A = arith.cmpi slt, %iota3A_5, %iota3A : vector<1024x1024xi32>
    %and3A = arith.andi %eq3A_12, %lt3A : vector<1024x1024xi1>
    %convert_element_type3A_13 = arith.extui %and3A : vector<1024x1024xi1> to vector<1024x1024xi32>
    %convert_element_type3A_14 = arith.sitofp %convert_element_type3A_13 : vector<1024x1024xi32> to vector<1024x1024xf32>
    %add3A = arith.addf %convert_element_type3A_10, %convert_element_type3A_14 : vector<1024x1024xf32>
    %reduce_sum3A_15 = arith.constant dense<0.000000e+00> : vector<1024xf32>
    %reduce_sum3A_16 = vector.multi_reduction <add>, %add3A, %reduce_sum3A_15 [1] : vector<1024x1024xf32> to vector<1024xf32>
    %broadcast_in_dim3A_17 = vector.shape_cast %reduce_sum3A_16 : vector<1024xf32> to vector<1024x1xf32>
    %lt3A_18 = arith.constant 7.680000e+02 : f32
    %lt3A_19 = vector.broadcast %lt3A_18 : f32 to vector<1024x1xf32>
    %lt3A_20 = arith.cmpf olt, %broadcast_in_dim3A_17, %lt3A_19 : vector<1024x1xf32>
    %convert_element_type3A_21 = arith.extui %lt3A_20 : vector<1024x1xi1> to vector<1024x1xi32>
    %convert_element_type3A_22 = arith.sitofp %convert_element_type3A_21 : vector<1024x1xi32> to vector<1024x1xf32>
    %swap3A = arith.constant 0 : index
    %swap3A_23 = arith.constant 0 : index
    %swap3A_24 = arith.constant 0 : index
    %swap3A_25 = vector.load %arg2[%swap3A, %swap3A_23, %swap3A_24] : memref<1x1024x1xf32, #tpu.memory_space<vmem>>, vector<1x1024x1xf32>
    %swap3A_26 = vector.shape_cast %swap3A_25 : vector<1x1024x1xf32> to vector<1024x1xf32>
    %swap3A_27 = vector.shape_cast %convert_element_type3A_22 : vector<1024x1xf32> to vector<1x1024x1xf32>
    tpu.vector_store %arg2[%swap3A, %swap3A_23, %swap3A_24], %swap3A_27 {strides = array<i32>} : memref<1x1024x1xf32, #tpu.memory_space<vmem>>, vector<1x1024x1xf32>,
    return
  }
  func.func @transform_0(%arg0: i32) -> (i32, i32, i32) {
    %c0_i32 = arith.constant 0 : i32
    %c0_i32_0 = arith.constant 0 : i32
    %c0_i32_1 = arith.constant 0 : i32
    return %arg0, %c0_i32, %c0_i32_0 : i32, i32, i32
  }
  func.func @transform_1(%arg0: i32) -> (i32, i32, i32) {
    %c0_i32 = arith.constant 0 : i32
    %c0_i32_0 = arith.constant 0 : i32
    %c0_i32_1 = arith.constant 0 : i32
    return %arg0, %c0_i32, %c0_i32_0 : i32, i32, i32
  }
}

</mosaic_0001>

<sc_bundles>
// kernel: kernel.5.cloned.1.call-start
scs
__scs_entry_jumppad:
0x0: {  	(pc) =	sbr.rel $0x88, $3  }
0x1: {  	(tag) =	ssettag $0x0;
	lr =	simm.s32 $0x1  }
0x2: {  	[smem:$0x3F9B] =	sst lr;
	_ =	strace $0xD0000000  }
0x3: {  	_ = 	snop  }
0x4: {  	_ = 	snop  }
0x5: {  	_ = 	snop  }
0x6: {  	_ = 	snop  }
0x7: {  	_ = 	snop  }
__scs_overlays_trampoline_lowered:
0x8: {  	[smem:$0x3FAA] =	sst s0  }
0x9: {  	[smem:$0x3FAB] =	sst s1  }
0xa: {  	[smem:$0x3FAC] =	sst s2  }
0xb: {  	[smem:$0x3FAD] =	sst s3  }
0xc: {  	[smem:$0x3FAE] =	sst s4  }
0xd: {  	[smem:$0x3FAF] =	sst s5  }
0xe: {  	[smem:$0x3FB0] =	sst s6  }
0xf: {  	[smem:$0x3FB1] =	sst s7  }
0x10: {  	[smem:$0x3FB2] =	sst s8  }
0x11: {  	[smem:$0x3FB3] =	sst s9;
	s0 =	simm.s32 @!p0 $0x0  }
0x12: {  	s1 =	sld [smem:$0x3F99];
	s0 =	simm.s32 @p0 $0x1  }
0x13: {  	[smem:$0x3FB4] =	sst s0;
	s0 =	simm.s32 @!p1 $0x0  }
0x14: {  	s2 =	sld [smem:$0x3F98];
	s0 =	simm.s32 @p1 $0x1  }
0x15: {  	[smem:$0x3FB5] =	sst s0;
	s0 =	simm.s32 @!p2 $0x0  }
0x16: {  	s3 =	sld [smem:$0x3FDB];
	s0 =	simm.s32 @p2 $0x1  }
0x17: {  	s4 =	simm.s32 $0x1BF5;
	[smem:$0x3FB7] =	sst s0  }
0x18: {  	s0 =	sld [smem:$0x3F9A];
	_ =	swait.ge [sflag:s4], $0x0  }
0x19: {  	s7 =	sld [smem:$0x3F9B]  }
0x1a: {  	s8 =	sadd.s32 $0xFFFFE003, lr  }
0x1b: {  	s9 =	sadd.s32 $0xFFFFFEF7, lr;
	s5 =	simm.s32 $0xFFFFFFFF;
	p2 =	slt.u32 s8, $0xFFFFF086  }
0x1c: {  	p1 =	slt.u32 s9, $0xF7A;
	s5 =	simm.s32 @!p2 $0x0  }
0x1d: {  	s5 =	simm.s32 @p1 $0x1;
	p0 =	seq.s32 s7, s2  }
0x1e: {  	s7 =	smul.u32 @!p0 $0xF7A, s2;
	p2 =	seq.s32 @!p0 s5, $0x0  }
0x1f: {  	s9 =	smul.u32 $0xF7A, s1;
	s8 =	simm.s32 @!p0 $0x1BF5;
	p2 =	por !p2, p0  }
0x20: {  	[sflag:s8] =	ssyncset.s32 @!p0 $0xFFFFF086;
	s6 =	sadd.s32 @!p0 s3, s7;
	s7 =	simm.s32 @!p0 $0x108  }
0x21: {  	s3 =	sadd.s32 s3, s9;
	s6 =	sadd.s32 @!p0 $0x88, s6;
	s7 =	simm.s32 @p2 $0x1082  }
0x22: {  	[simem:s7], [sflag:s8] =	dma.local @!p0 [hbm:s6], $0xF7A  }
0x23: {  	s9 =	sor.u32 $0xD0000000, s2;
	s6 =	simm.s32 $0x108;
	_ =	swait.ge @!p0 [sflag:s8], $0x0  }
0x24: {  	s3 =	sadd.s32 $0x88, s3;
	s6 =	simm.s32 @!p1 $0x1082;
	[sflag:s4] =	ssyncset.s32 $0xFFFFF086  }
0x25: {  	[simem:s6], [sflag:s4] =	dma.local [hbm:s3], $0xF7A  }
0x26: {  	[smem:$0x3F9B] =	sst s1;
	(tag) =	ssettag s2;
	_ =	strace s9  }
0x27: {  	s1 =	sld [smem:$0x3FAB]  }
0x28: {  	s2 =	sld [smem:$0x3FAC]  }
0x29: {  	s4 =	sld [smem:$0x3FAE]  }
0x2a: {  	p0 =	seq.s32 s5, $0x0;
	s5 =	sld [smem:$0x3FAF]  }
0x2b: {  	s6 =	sld [smem:$0x3FB0]  }
0x2c: {  	s7 =	sld [smem:$0x3FB1]  }
0x2d: {  	s3 =	simm.s32 $0x108;
	s8 =	sld [smem:$0x3FB2]  }
0x2e: {  	s3 =	simm.s32 @!p0 $0x1082;
	s9 =	sld [smem:$0x3FB3]  }
0x2f: {  	lr =	sadd.s32 s0, s3;
	s0 =	sld [smem:$0x3FAA]  }
0x30: {  	s3 =	sld [smem:$0x3FAD]  }
0x31: {  	[smem:$0x3FB6] =	sst s10  }
0x32: {  	s10 =	sld [smem:$0x3FB4];
	_ =	sdelay $0x3  }
0x33: {  	p0 =	seq.s32 s10, $0x1;
	s10 =	sld [smem:$0x3FB6];
	_ =	sdelay $0x3  }
0x34: {  	[smem:$0x3FB6] =	sst s10  }
0x35: {  	s10 =	sld [smem:$0x3FB5];
	_ =	sdelay $0x3  }
0x36: {  	p1 =	seq.s32 s10, $0x1;
	s10 =	sld [smem:$0x3FB6];
	_ =	sdelay $0x3  }
0x37: {  	[smem:$0x3FB6] =	sst s10  }
0x38: {  	s10 =	sld [smem:$0x3FB7]  }
0x39: {  	_ = 	snop;
	(pc) =	sbr.ind lr, $3  }
0x3a: {  	_ = 	snop  }
0x3b: {  	_ = 	snop  }
0x3c: {  	p2 =	seq.s32 s10, $0x1;
	s10 =	sld [smem:$0x3FB6]  }
0x3d: {  	_ =	shalt  }
0x3e: {  	_ =	shalt  }
0x3f: {  	_ =	shalt  }
0x40: {  	_ =	shalt  }
0x41: {  	_ =	shalt  }
0x42: {  	_ =	shalt  }
0x43: {  	_ =	shalt  }
0x44: {  	_ =	shalt  }
0x45: {  	_ =	shalt  }
0x46: {  	_ =	shalt  }
0x47: {  	_ =	shalt  }
0x48: {  	_ =	shalt  }
0x49: {  	_ =	shalt  }
0x4a: {  	_ =	shalt  }
0x4b: {  	_ =	shalt  }
0x4c: {  	_ =	shalt  }
0x4d: {  	_ =	shalt  }
0x4e: {  	_ =	shalt  }
0x4f: {  	_ =	shalt  }
0x50: {  	_ =	shalt  }
0x51: {  	_ =	shalt  }
0x52: {  	_ =	shalt  }
0x53: {  	_ =	shalt  }
0x54: {  	_ =	shalt  }
0x55: {  	_ =	shalt  }
0x56: {  	_ =	shalt  }
0x57: {  	_ =	shalt  }
0x58: {  	_ =	shalt  }
0x59: {  	_ =	shalt  }
0x5a: {  	_ =	shalt  }
0x5b: {  	_ =	shalt  }
0x5c: {  	_ =	shalt  }
0x5d: {  	_ =	shalt  }
0x5e: {  	_ =	shalt  }
0x5f: {  	_ =	shalt  }
0x60: {  	_ =	shalt  }
0x61: {  	_ =	shalt  }
0x62: {  	_ =	shalt  }
0x63: {  	_ =	shalt  }
0x64: {  	_ =	shalt  }
0x65: {  	_ =	shalt  }
0x66: {  	_ =	shalt  }
0x67: {  	_ =	shalt  }
0x68: {  	_ =	shalt  }
0x69: {  	_ =	shalt  }
0x6a: {  	_ =	shalt  }
0x6b: {  	_ =	shalt  }
0x6c: {  	_ =	shalt  }
0x6d: {  	_ =	shalt  }
0x6e: {  	_ =	shalt  }
0x6f: {  	_ =	shalt  }
0x70: {  	_ =	shalt  }
0x71: {  	_ =	shalt  }
0x72: {  	_ =	shalt  }
0x73: {  	_ =	shalt  }
0x74: {  	_ =	shalt  }
0x75: {  	_ =	shalt  }
0x76: {  	_ =	shalt  }
0x77: {  	_ =	shalt  }
0x78: {  	_ =	shalt  }
0x79: {  	_ =	shalt  }
0x7a: {  	_ =	shalt  }
0x7b: {  	_ =	shalt  }
0x7c: {  	_ =	shalt  }
0x7d: {  	_ =	shalt  }
0x7e: {  	_ =	shalt  }
0x7f: {  	_ =	shalt  }
0x80: {  	_ =	shalt  }
0x81: {  	_ =	shalt  }
0x82: {  	_ =	shalt  }
0x83: {  	_ =	shalt  }
0x84: {  	_ =	shalt  }
0x85: {  	_ =	shalt  }
0x86: {  	_ =	shalt  }
0x87: {  	_ =	shalt  }
.Lfunc_end0:
.L_simem_size_0:
called_computation.1_lowered:
.L_overlay_start_0:
0x88: {  	s2 =	sld [smem:$0x3FD9]  }
0x89: {  	s3 =	sld [smem:$0x3FFE];
	_ =	sdelay $0x1  }
0x8a: {  	s1 =	srdreg.scid  }
0x8b: {  	s0 =	sand.u32 $0x1, s1  }
0x8c: {  	s14 =	sshll.u32 s0, $0xA;
	s2 =	sadd.s32 s3, s2  }
0x8d: {  	s2 =	sadd.s32 s2, s14  }
0x8e: {  	[smem:$0x3FC2] =	sst s2  }
0x8f: {  	_ = 	snop  }
0x90: {  	s2 =	sld [smem:$0x3FD0];
	_ =	sdelay $0x2  }
0x91: {  	s15 =	simm.s32 $0xA;
	s4 =	simm.s32 $0x10  }
0x92: {  	[smem:s4], [sflag:s15] =	dma.local [hbm:s2], $0x1  }
0x93: {  	_ =	swait.eq [sflag:s15], $0x1  }
0x94: {  	[sflag:s15] =	ssyncset.done $0x0  }
0x95: {  	[sflag:s15] =	ssyncadd.s32 $0xFFFFFFFF  }
0x96: {  	s16 =	sld [smem:$0x10];
	(tm) =	ssettm $0x1  }
0x97: {  	s17 =	sld [smem:$0x3FFB];
	_ =	sdelay $0x3  }
0x98: {  	_ =	strace s17  }
0x99: {  	s3 =	sld [smem:$0x3FFC];
	_ =	sdelay $0x3  }
0x9a: {  	_ =	strace s3  }
0x9b: {  	s3 =	sld [smem:$0x3FFD];
	_ =	sdelay $0x3  }
0x9c: {  	_ =	strace s3  }
0x9d: {  	_ =	strace $0x8FFFFFFF  }
0x9e: {  	s18 =	sld [smem:$0x3FDB];
	_ =	sdelay $0x1  }
0x9f: {  	s19 =	simm.s32 $_scs_section_size  }
0xa0: {  	s5 =	simm.s32 $_size__tile_overlayer_lowered;
	s6 =	simm.s32 $_tile_overlayer_lowered  }
0xa1: {  	s22 =	simm.s32 $0x1BFF;
	s21 =	sshll.u32 s6, $0x1;
	s3 =	sadd.s32 s19, s18  }
0xa2: {  	s7 =	simm.s32 $0x0;
	s20 =	sshll.u32 s5, $0x1;
	s5 =	sadd.s32 s21, s3  }
0xa3: {  	[timem:s7], [sflag:s22] =	dma.local [hbm:s5], s20  }
0xa4: {  	_ =	swait.ge [sflag:s22], s20  }
0xa5: {  	s4 =	ssub.s32 $0x0, s20;
	[sflag:s22] =	ssyncset.done $0x0  }
0xa6: {  	[sflag:s22] =	ssyncadd.s32 s4;
	_ =	sdelay $0x1  }
0xa7: {  	s23 =	simm.s32 $0x1B8B  }
0xa8: {  	_ =	swait.ge [sflag:s23], $0x1  }
0xa9: {  	[sflag:s23] =	ssyncset.done $0x0  }
0xaa: {  	s25 =	simm.s32 $0x1B8E;
	s24 =	sld [smem:$0x3FFE];
	[sflag:s23] =	ssyncadd.s32 $0xFFFFFFFF  }
0xab: {  	s26 =	simm.s32 $execute0_lowered;
	[smem:$0x3FD2] =	sst s25  }
0xac: {  	s5 =	sshll.u32 s26, $0x1;
	_ =	strace $0x80000049;
	[dreg:$0x1] =	wrdreg $0xFFFFFFFF  }
0xad: {  	s28 =	simm.s32 $_size_execute0_lowered;
	s3 =	sadd.s32 s3, s5;
	[dreg:$0x0] =	wrdreg $0x0  }
0xae: {  	s5 =	sshll.u32 s28, $0x1;
	[dreg:$0x2] =	wrdreg s3  }
0xaf: {  	[dreg:$0x3] =	wrdreg s5  }
0xb0: {  	[dreg:$0x4] =	wrdreg $0xC0  }
0xb1: {  	_ =	task [dreg:s7], $0x5FFFF  }
0xb2: {  	[dreg:$0x1] =	wrdreg $0xFFFFFFFF  }
0xb3: {  	[dreg:$0x0] =	wrdreg $0x60  }
0xb4: {  	[dreg:$0x2] =	wrdreg s16  }
0xb5: {  	[dreg:$0x3] =	wrdreg s24  }
0xb6: {  	[dreg:$0x4] =	wrdreg $0x9  }
0xb7: {  	_ =	task.clear_ibuf [dreg:s7], $0x5FFFF;
	_ =	strace $0x90000049  }
0xb8: {  	s29 =	simm.s32 $0x9;
	_ =	strace $0x8000004B  }
0xb9: {  	_ =	swait.ge [sflag:s29], $0x1  }
0xba: {  	[sflag:s29] =	ssyncadd.s32 $0xFFFFFFFF  }
0xbb: {  	_ =	strace $0x9000004B  }
0xbc: {  	_ =	sfence  }
0xbd: {  	s30 =	sld [smem:$0x0];
	_ =	sdelay $0x2  }
0xbe: {  	s31 =	sshll.u32 s1, $0xD;
	s1 =	sshrl.u32 s1, $0x2  }
0xbf: {  	s3 =	sand.u32 $0x4000, s31;
	s1 =	sadd.s32 s1, s30  }
0xc0: {  	s0 =	sor.u32 s3, s0;
	s1 =	sshll.u32 s1, $0x11  }
0xc1: {  	s0 =	sor.u32 s1, s0  }
0xc2: {  	s0 =	sadd.s32 $0x8F2B, s0  }
0xc3: {  	[sflag:s0] =	ssyncadd.remote.s32 $0x1  }
0xc4: {  	_ =	sfence.sel $0xFFFF  }
0xc5: {  	[dreg:$0x0] =	wrdreg $0xFFFFFFFF;
	(pc) =	sbr.abs _section_cstart, $3  }
0xc6: {  	[dreg:$0x1] =	wrdreg $0xFFFFFFFF  }
0xc7: {  	_ =	task.clear_ibuf [dreg:s7], $0x2FFFF;
	_ =	strace $0x9FFFFFFF  }
0xc8: {  	(tm) =	ssettm $0x7FFFFFFF  }
0xc9: {  	_ =	shalt  }
tec
execute0_lowered:
.L_overlay_start_1:
0x0: {  	(tag) =	ssettag $0x1  }
0x1: {  	s1 =	rddreg [dreg:$0x0]  }
0x2: {  	s4 =	rddreg [dreg:$0x1]  }
0x3: {  	s0 =	rddreg [dreg:$0x2];
	s5 =	srdreg.scid  }
0x4: {  	s3 =	simm.s32 $0x0;
	s2 =	stileid.u32;
	s5 =	sand.u32 $0x1, s5  }
0x5: {  	s8 =	simm.s32 $0x8000;
	s6 =	sshll.u32 s2, $0x8;
	s7 =	sshll.u32 s5, $0x7  }
0x6: {  	s9 =	simm.s32 $0x8400;
	s5 =	ssub.s32 $0x2, s5;
	s6 =	sor.u32 s7, s6  }
0x7: {  	[smem:$0x7FF] =	sst s3;
	s31 =	sshrl.u32 s5, $0x1;
	s6 =	sadd.s32 s6, s4  }
0x8: {  	_ =	strace $0x8000004A;
	s7 =	ssub.s32 s5, s31;
	s4 =	sadd.s32 $0x1000, s6  }
0x9: {  	s5 =	sadd.s32 $0x2000, s6;
	s6 =	smax.u32 s7, $0x1;
	s7 =	simm.s32 $0x1  }
.LBB2_1:
0xa: {  	[tilespmem:s3], [sflag:$0x1] =	stream.linear.gather [hbm4b:s1+s3], $0x8000, $0x38;
	[tilespmem:$0x8800] =	vst v63  }
0xb: {  	_ =	swait.ge [sflag:s7], $0x8000  }
0xc: {  	[sflag:s7] =	ssyncset.done $0x0  }
0xd: {  	[sflag:s7] =	ssyncadd.s32 $0xFFFF8000  }
0xe: {  	[tilespmem:s8], [sflag:$0x1] =	stream.linear.gather [hbm4b:s4+s3], $0x400, $0x38;
	[tilespmem:$0x8800] =	vst v63  }
0xf: {  	_ =	swait.ge [sflag:s7], $0x400  }
0x10: {  	[sflag:s7] =	ssyncset.done $0x0  }
0x11: {  	[sflag:s7] =	ssyncadd.s32 $0xFFFFFC00  }
0x12: {  	v0 =	vld [tilespmem:$0x8000];
	_ =	sdelay $0x5  }
0x13: {  	v1 =	vld [tilespmem:$0x8010];
	_ =	sdelay $0x1  }
0x14: {  	v0 =	vld.idx.msk [tilespmem:v0+s3+$0x0], $0xffff;
	_ =	sdelay $0x3  }
0x15: {  	v2 =	vld [tilespmem:$0x8020]  }
0x16: {  	[tilespmem:$0x8400] =	vst v0  }
0x17: {  	v0 =	vld.idx.msk [tilespmem:v1+s3+$0x0], $0xffff;
	_ =	sdelay $0x3  }
0x18: {  	v63 =	vld [tilespmem:$0x8030]  }
0x19: {  	[tilespmem:$0x8410] =	vst v0  }
0x1a: {  	v0 =	vld.idx.msk [tilespmem:v2+s3+$0x0], $0xffff;
	_ =	sdelay $0x3  }
0x1b: {  	v4 =	vld [tilespmem:$0x8040]  }
0x1c: {  	[tilespmem:$0x8420] =	vst v0  }
0x1d: {  	v0 =	vld.idx.msk [tilespmem:v63+s3+$0x0], $0xffff;
	_ =	sdelay $0x3  }
0x1e: {  	v5 =	vld [tilespmem:$0x8050]  }
0x1f: {  	[tilespmem:$0x8430] =	vst v0  }
0x20: {  	v0 =	vld.idx.msk [tilespmem:v4+s3+$0x0], $0xffff;
	_ =	sdelay $0x3  }
0x21: {  	v6 =	vld [tilespmem:$0x8060]  }
0x22: {  	[tilespmem:$0x8440] =	vst v0  }
0x23: {  	v0 =	vld.idx.msk [tilespmem:v5+s3+$0x0], $0xffff;
	_ =	sdelay $0x3  }
0x24: {  	v7 =	vld [tilespmem:$0x8070]  }
0x25: {  	[tilespmem:$0x8450] =	vst v0  }
0x26: {  	v0 =	vld.idx.msk [tilespmem:v6+s3+$0x0], $0xffff;
	_ =	sdelay $0x3  }
0x27: {  	v8 =	vld [tilespmem:$0x8080]  }
0x28: {  	[tilespmem:$0x8460] =	vst v0  }
0x29: {  	v0 =	vld.idx.msk [tilespmem:v7+s3+$0x0], $0xffff;
	_ =	sdelay $0x3  }
0x2a: {  	v9 =	vld [tilespmem:$0x8090]  }
0x2b: {  	[tilespmem:$0x8470] =	vst v0  }
0x2c: {  	v0 =	vld.idx.msk [tilespmem:v8+s3+$0x0], $0xffff;
	_ =	sdelay $0x3  }
0x2d: {  	v10 =	vld [tilespmem:$0x80A0]  }
0x2e: {  	[tilespmem:$0x8480] =	vst v0  }
0x2f: {  	v0 =	vld.idx.msk [tilespmem:v9+s3+$0x0], $0xffff;
	_ =	sdelay $0x3  }
0x30: {  	v11 =	vld [tilespmem:$0x80B0]  }
0x31: {  	[tilespmem:$0x8490] =	vst v0  }
0x32: {  	v0 =	vld.idx.msk [tilespmem:v10+s3+$0x0], $0xffff;
	_ =	sdelay $0x3  }
0x33: {  	v12 =	vld [tilespmem:$0x80C0]  }
0x34: {  	[tilespmem:$0x84A0] =	vst v0  }
0x35: {  	v0 =	vld.idx.msk [tilespmem:v11+s3+$0x0], $0xffff;
	_ =	sdelay $0x3  }
0x36: {  	v13 =	vld [tilespmem:$0x80D0]  }
0x37: {  	[tilespmem:$0x84B0] =	vst v0  }
0x38: {  	v0 =	vld.idx.msk [tilespmem:v12+s3+$0x0], $0xffff;
	_ =	sdelay $0x3  }
0x39: {  	v14 =	vld [tilespmem:$0x80E0]  }
0x3a: {  	[tilespmem:$0x84C0] =	vst v0  }
0x3b: {  	v0 =	vld.idx.msk [tilespmem:v13+s3+$0x0], $0xffff;
	_ =	sdelay $0x3  }
0x3c: {  	v15 =	vld [tilespmem:$0x80F0]  }
0x3d: {  	[tilespmem:$0x84D0] =	vst v0  }
0x3e: {  	v0 =	vld.idx.msk [tilespmem:v14+s3+$0x0], $0xffff;
	_ =	sdelay $0x3  }
0x3f: {  	v16 =	vld [tilespmem:$0x8100]  }
0x40: {  	[tilespmem:$0x84E0] =	vst v0  }
0x41: {  	v0 =	vld.idx.msk [tilespmem:v15+s3+$0x0], $0xffff;
	_ =	sdelay $0x3  }
0x42: {  	v17 =	vld [tilespmem:$0x8110]  }
0x43: {  	[tilespmem:$0x84F0] =	vst v0  }
0x44: {  	v0 =	vld.idx.msk [tilespmem:v16+s3+$0x0], $0xffff;
	_ =	sdelay $0x3  }
0x45: {  	v18 =	vld [tilespmem:$0x8120]  }
0x46: {  	[tilespmem:$0x8500] =	vst v0  }
0x47: {  	v0 =	vld.idx.msk [tilespmem:v17+s3+$0x0], $0xffff;
	_ =	sdelay $0x3  }
0x48: {  	v19 =	vld [tilespmem:$0x8130]  }
0x49: {  	[tilespmem:$0x8510] =	vst v0  }
0x4a: {  	v0 =	vld.idx.msk [tilespmem:v18+s3+$0x0], $0xffff;
	_ =	sdelay $0x3  }
0x4b: {  	v20 =	vld [tilespmem:$0x8140]  }
0x4c: {  	[tilespmem:$0x8520] =	vst v0  }
0x4d: {  	v0 =	vld.idx.msk [tilespmem:v19+s3+$0x0], $0xffff;
	_ =	sdelay $0x3  }
0x4e: {  	v21 =	vld [tilespmem:$0x8150]  }
0x4f: {  	[tilespmem:$0x8530] =	vst v0  }
0x50: {  	v0 =	vld.idx.msk [tilespmem:v20+s3+$0x0], $0xffff;
	_ =	sdelay $0x3  }
0x51: {  	v22 =	vld [tilespmem:$0x8160]  }
0x52: {  	[tilespmem:$0x8540] =	vst v0  }
0x53: {  	v0 =	vld.idx.msk [tilespmem:v21+s3+$0x0], $0xffff;
	_ =	sdelay $0x3  }
0x54: {  	v23 =	vld [tilespmem:$0x8170]  }
0x55: {  	[tilespmem:$0x8550] =	vst v0  }
0x56: {  	v0 =	vld.idx.msk [tilespmem:v22+s3+$0x0], $0xffff;
	_ =	sdelay $0x3  }
0x57: {  	v24 =	vld [tilespmem:$0x8180]  }
0x58: {  	[tilespmem:$0x8560] =	vst v0  }
0x59: {  	v0 =	vld.idx.msk [tilespmem:v23+s3+$0x0], $0xffff;
	_ =	sdelay $0x3  }
0x5a: {  	v25 =	vld [tilespmem:$0x8190]  }
0x5b: {  	[tilespmem:$0x8570] =	vst v0  }
0x5c: {  	v0 =	vld.idx.msk [tilespmem:v24+s3+$0x0], $0xffff;
	_ =	sdelay $0x3  }
0x5d: {  	v26 =	vld [tilespmem:$0x81A0]  }
0x5e: {  	[tilespmem:$0x8580] =	vst v0  }
0x5f: {  	v0 =	vld.idx.msk [tilespmem:v25+s3+$0x0], $0xffff;
	_ =	sdelay $0x3  }
0x60: {  	v27 =	vld [tilespmem:$0x81B0]  }
0x61: {  	[tilespmem:$0x8590] =	vst v0  }
0x62: {  	v0 =	vld.idx.msk [tilespmem:v26+s3+$0x0], $0xffff;
	_ =	sdelay $0x3  }
0x63: {  	v28 =	vld [tilespmem:$0x81C0]  }
0x64: {  	[tilespmem:$0x85A0] =	vst v0  }
0x65: {  	v0 =	vld.idx.msk [tilespmem:v27+s3+$0x0], $0xffff;
	_ =	sdelay $0x3  }
0x66: {  	v29 =	vld [tilespmem:$0x81D0]  }
0x67: {  	[tilespmem:$0x85B0] =	vst v0  }
0x68: {  	v0 =	vld.idx.msk [tilespmem:v28+s3+$0x0], $0xffff;
	_ =	sdelay $0x3  }
0x69: {  	v30 =	vld [tilespmem:$0x81E0]  }
0x6a: {  	[tilespmem:$0x85C0] =	vst v0  }
0x6b: {  	v0 =	vld.idx.msk [tilespmem:v29+s3+$0x0], $0xffff;
	_ =	sdelay $0x3  }
0x6c: {  	v31 =	vld [tilespmem:$0x81F0]  }
0x6d: {  	[tilespmem:$0x85D0] =	vst v0  }
0x6e: {  	v0 =	vld.idx.msk [tilespmem:v30+s3+$0x0], $0xffff;
	_ =	sdelay $0x3  }
0x6f: {  	v32 =	vld [tilespmem:$0x8200]  }
0x70: {  	[tilespmem:$0x85E0] =	vst v0  }
0x71: {  	v0 =	vld.idx.msk [tilespmem:v31+s3+$0x0], $0xffff;
	_ =	sdelay $0x3  }
0x72: {  	v33 =	vld [tilespmem:$0x8210]  }
0x73: {  	[tilespmem:$0x85F0] =	vst v0  }
0x74: {  	v0 =	vld.idx.msk [tilespmem:v32+s3+$0x0], $0xffff;
	_ =	sdelay $0x3  }
0x75: {  	v34 =	vld [tilespmem:$0x8220]  }
0x76: {  	[tilespmem:$0x8600] =	vst v0  }
0x77: {  	v0 =	vld.idx.msk [tilespmem:v33+s3+$0x0], $0xffff;
	_ =	sdelay $0x3  }
0x78: {  	v35 =	vld [tilespmem:$0x8230]  }
0x79: {  	[tilespmem:$0x8610] =	vst v0  }
0x7a: {  	v0 =	vld.idx.msk [tilespmem:v34+s3+$0x0], $0xffff;
	_ =	sdelay $0x3  }
0x7b: {  	v36 =	vld [tilespmem:$0x8240]  }
0x7c: {  	[tilespmem:$0x8620] =	vst v0  }
0x7d: {  	v0 =	vld.idx.msk [tilespmem:v35+s3+$0x0], $0xffff;
	_ =	sdelay $0x3  }
0x7e: {  	v37 =	vld [tilespmem:$0x8250]  }
0x7f: {  	[tilespmem:$0x8630] =	vst v0  }
0x80: {  	v0 =	vld.idx.msk [tilespmem:v36+s3+$0x0], $0xffff;
	_ =	sdelay $0x3  }
0x81: {  	v38 =	vld [tilespmem:$0x8260]  }
0x82: {  	[tilespmem:$0x8640] =	vst v0  }
0x83: {  	v0 =	vld.idx.msk [tilespmem:v37+s3+$0x0], $0xffff;
	_ =	sdelay $0x3  }
0x84: {  	v39 =	vld [tilespmem:$0x8270]  }
0x85: {  	[tilespmem:$0x8650] =	vst v0  }
0x86: {  	v0 =	vld.idx.msk [tilespmem:v38+s3+$0x0], $0xffff;
	_ =	sdelay $0x3  }
0x87: {  	v40 =	vld [tilespmem:$0x8280]  }
0x88: {  	[tilespmem:$0x8660] =	vst v0  }
0x89: {  	v0 =	vld.idx.msk [tilespmem:v39+s3+$0x0], $0xffff;
	_ =	sdelay $0x3  }
0x8a: {  	v41 =	vld [tilespmem:$0x8290]  }
0x8b: {  	[tilespmem:$0x8670] =	vst v0  }
0x8c: {  	v0 =	vld.idx.msk [tilespmem:v40+s3+$0x0], $0xffff;
	_ =	sdelay $0x3  }
0x8d: {  	v42 =	vld [tilespmem:$0x82A0]  }
0x8e: {  	[tilespmem:$0x8680] =	vst v0  }
0x8f: {  	v0 =	vld.idx.msk [tilespmem:v41+s3+$0x0], $0xffff;
	_ =	sdelay $0x3  }
0x90: {  	v43 =	vld [tilespmem:$0x82B0]  }
0x91: {  	[tilespmem:$0x8690] =	vst v0  }
0x92: {  	v0 =	vld.idx.msk [tilespmem:v42+s3+$0x0], $0xffff;
	_ =	sdelay $0x3  }
0x93: {  	v44 =	vld [tilespmem:$0x82C0]  }
0x94: {  	[tilespmem:$0x86A0] =	vst v0  }
0x95: {  	v0 =	vld.idx.msk [tilespmem:v43+s3+$0x0], $0xffff;
	_ =	sdelay $0x3  }
0x96: {  	v45 =	vld [tilespmem:$0x82D0]  }
0x97: {  	[tilespmem:$0x86B0] =	vst v0  }
0x98: {  	v0 =	vld.idx.msk [tilespmem:v44+s3+$0x0], $0xffff;
	_ =	sdelay $0x3  }
0x99: {  	v46 =	vld [tilespmem:$0x82E0]  }
0x9a: {  	[tilespmem:$0x86C0] =	vst v0  }
0x9b: {  	v0 =	vld.idx.msk [tilespmem:v45+s3+$0x0], $0xffff;
	_ =	sdelay $0x3  }
0x9c: {  	v47 =	vld [tilespmem:$0x82F0]  }
0x9d: {  	[tilespmem:$0x86D0] =	vst v0  }
0x9e: {  	v0 =	vld.idx.msk [tilespmem:v46+s3+$0x0], $0xffff;
	_ =	sdelay $0x3  }
0x9f: {  	v48 =	vld [tilespmem:$0x8300]  }
0xa0: {  	[tilespmem:$0x86E0] =	vst v0  }
0xa1: {  	v0 =	vld.idx.msk [tilespmem:v47+s3+$0x0], $0xffff;
	_ =	sdelay $0x3  }
0xa2: {  	v49 =	vld [tilespmem:$0x8310]  }
0xa3: {  	[tilespmem:$0x86F0] =	vst v0  }
0xa4: {  	v0 =	vld.idx.msk [tilespmem:v48+s3+$0x0], $0xffff;
	_ =	sdelay $0x3  }
0xa5: {  	v50 =	vld [tilespmem:$0x8320]  }
0xa6: {  	[tilespmem:$0x8700] =	vst v0  }
0xa7: {  	v0 =	vld.idx.msk [tilespmem:v49+s3+$0x0], $0xffff;
	_ =	sdelay $0x3  }
0xa8: {  	v51 =	vld [tilespmem:$0x8330]  }
0xa9: {  	[tilespmem:$0x8710] =	vst v0  }
0xaa: {  	v0 =	vld.idx.msk [tilespmem:v50+s3+$0x0], $0xffff;
	_ =	sdelay $0x3  }
0xab: {  	v52 =	vld [tilespmem:$0x8340]  }
0xac: {  	[tilespmem:$0x8720] =	vst v0  }
0xad: {  	v0 =	vld.idx.msk [tilespmem:v51+s3+$0x0], $0xffff;
	_ =	sdelay $0x3  }
0xae: {  	v53 =	vld [tilespmem:$0x8350]  }
0xaf: {  	[tilespmem:$0x8730] =	vst v0  }
0xb0: {  	v0 =	vld.idx.msk [tilespmem:v52+s3+$0x0], $0xffff;
	_ =	sdelay $0x3  }
0xb1: {  	v54 =	vld [tilespmem:$0x8360]  }
0xb2: {  	[tilespmem:$0x8740] =	vst v0  }
0xb3: {  	v0 =	vld.idx.msk [tilespmem:v53+s3+$0x0], $0xffff;
	_ =	sdelay $0x3  }
0xb4: {  	v55 =	vld [tilespmem:$0x8370]  }
0xb5: {  	[tilespmem:$0x8750] =	vst v0  }
0xb6: {  	v0 =	vld.idx.msk [tilespmem:v54+s3+$0x0], $0xffff;
	_ =	sdelay $0x3  }
0xb7: {  	v56 =	vld [tilespmem:$0x8380]  }
0xb8: {  	[tilespmem:$0x8760] =	vst v0  }
0xb9: {  	v0 =	vld.idx.msk [tilespmem:v55+s3+$0x0], $0xffff;
	_ =	sdelay $0x3  }
0xba: {  	v57 =	vld [tilespmem:$0x8390]  }
0xbb: {  	[tilespmem:$0x8770] =	vst v0  }
0xbc: {  	v0 =	vld.idx.msk [tilespmem:v56+s3+$0x0], $0xffff;
	_ =	sdelay $0x3  }
0xbd: {  	v58 =	vld [tilespmem:$0x83A0]  }
0xbe: {  	[tilespmem:$0x8780] =	vst v0  }
0xbf: {  	v0 =	vld.idx.msk [tilespmem:v57+s3+$0x0], $0xffff;
	_ =	sdelay $0x3  }
0xc0: {  	v59 =	vld [tilespmem:$0x83B0]  }
0xc1: {  	[tilespmem:$0x8790] =	vst v0  }
0xc2: {  	v0 =	vld.idx.msk [tilespmem:v58+s3+$0x0], $0xffff;
	_ =	sdelay $0x3  }
0xc3: {  	v60 =	vld [tilespmem:$0x83C0]  }
0xc4: {  	[tilespmem:$0x87A0] =	vst v0  }
0xc5: {  	v0 =	vld.idx.msk [tilespmem:v59+s3+$0x0], $0xffff;
	_ =	sdelay $0x3  }
0xc6: {  	v61 =	vld [tilespmem:$0x83D0]  }
0xc7: {  	[tilespmem:$0x87B0] =	vst v0  }
0xc8: {  	v0 =	vld.idx.msk [tilespmem:v60+s3+$0x0], $0xffff;
	_ =	sdelay $0x3  }
0xc9: {  	v62 =	vld [tilespmem:$0x83E0]  }
0xca: {  	[tilespmem:$0x87C0] =	vst v0  }
0xcb: {  	v0 =	vld.idx.msk [tilespmem:v61+s3+$0x0], $0xffff;
	_ =	sdelay $0x3  }
0xcc: {  	v63 =	vld [tilespmem:$0x83F0]  }
0xcd: {  	[tilespmem:$0x87D0] =	vst v0  }
0xce: {  	v0 =	vld.idx.msk [tilespmem:v62+s3+$0x0], $0xffff;
	_ =	sdelay $0x4  }
0xcf: {  	[tilespmem:$0x87E0] =	vst v0  }
0xd0: {  	v0 =	vld.idx.msk [tilespmem:v63+s3+$0x0], $0xffff;
	_ =	sdelay $0x3  }
0xd1: {  	p0 =	sne.s32 s6, $0x1  }
.Ltmp0:
0xd2: {  	[tilespmem:$0x87F0] =	vst v0;
	(pc) =	sbr.rel @p0 .LBB2_1-.Ltmp0, $4  }
0xd3: {  	[hbm4b:s5+s3] =	stream.linear.scatter [tilespmem:s9], [sflag:$0x1], $0x400, $0x38;
	[tilespmem:$0x8800] =	vst v63  }
0xd4: {  	_ =	swait.ge [sflag:s7], $0x400  }
0xd5: {  	[sflag:s7] =	ssyncset.done $0x0  }
0xd6: {  	s6 =	sadd.s32 $0xFFFFFFFF, s6;
	[sflag:s7] =	ssyncadd.s32 $0xFFFFFC00  }
0xd7: {  	_ =	sfence.sel $0x180000  }
0xd8: {  	[bflag:$0x0] =	sbarrier.arrive $0xFFFF  }
0xd9: {  	p0 =	sne.s32 s2, $0x0;
	_ =	strace $0x9000004A  }
0xda: {  	s0 =	sadd.s32 @!p0 $0x100000, s0;
	[bflag:$0x2] =	sbarrier.arrive $0xFFFF  }
0xdb: {  	[sflag:s0] =	ssyncadd.tile.s32 @!p0 $0x1;
	_ =	shalt  }
.Lfunc_end2:
_tile_overlayer_lowered:
.L_overlay_start_2:
0xdc: {  	(tag) =	ssettag $0x2  }
0xdd: {  	s0 =	rddreg [dreg:$0x0];
	s2 =	stileid.u32  }
0xde: {  	s1 =	rddreg [dreg:$0x1];
	p0 =	sne.s32 s2, $0x0  }
0xdf: {  	s3 =	rddreg [dreg:$0x2];
	[bflag:$0x3] =	sbarrier.arrive $0xFFFF;
	s2 =	simm.s32 @!p0 $0x1C01  }
0xe0: {  	[timem:s3], [sflag:s2] =	dma.local @!p0 [hbm:s0], s1  }
0xe1: {  	s0 =	simm.s32 @!p0 $0x1  }
0xe2: {  	_ =	swait.ge @!p0 [sflag:s0], s1  }
0xe3: {  	s1 =	ssub.s32 @!p0 $0x0, s1;
	[sflag:s0] =	ssyncset.done @!p0 $0x0  }
0xe4: {  	[sflag:s0] =	ssyncadd.s32 @!p0 s1  }
0xe5: {  	[bflag:$0x3] =	sbarrier.arrive $0xFFFF  }
0xe6: {  	_ =	shalt  }

// kernel: sparse-core-data-format-call.cloned.1.call-start
scs
called_computation_lowered:
.L_overlay_start_0:
0x0: {  	s1 =	sld [smem:$0x3FD9]  }
0x1: {  	s2 =	sld [smem:$0x3FFE];
	_ =	sdelay $0x1  }
0x2: {  	s3 =	srdreg.scid  }
0x3: {  	s0 =	sand.u32 $0x1, s3  }
0x4: {  	s17 =	sshll.u32 s0, $0xA;
	s1 =	sadd.s32 s2, s1  }
0x5: {  	s1 =	sadd.s32 s1, s17  }
0x6: {  	[smem:$0x3FC2] =	sst s1  }
0x7: {  	_ = 	snop  }
0x8: {  	(tm) =	ssettm $0x1  }
0x9: {  	s18 =	sld [smem:$0x3FFB];
	_ =	sdelay $0x3  }
0xa: {  	_ =	strace s18  }
0xb: {  	s1 =	sld [smem:$0x3FFC];
	_ =	sdelay $0x3  }
0xc: {  	_ =	strace s1  }
0xd: {  	s1 =	sld [smem:$0x3FFD];
	_ =	sdelay $0x3  }
0xe: {  	_ =	strace s1  }
0xf: {  	_ =	strace $0x8FFFFFFF  }
0x10: {  	s19 =	sld [smem:$0x3FDB];
	_ =	sdelay $0x1  }
0x11: {  	s20 =	simm.s32 $_scs_section_size  }
0x12: {  	s4 =	simm.s32 $_size__tile_overlayer_lowered;
	s5 =	simm.s32 $_tile_overlayer_lowered  }
0x13: {  	s23 =	simm.s32 $0x1BFF;
	s22 =	sshll.u32 s5, $0x1;
	s1 =	sadd.s32 s20, s19  }
0x14: {  	s6 =	simm.s32 $0x0;
	s21 =	sshll.u32 s4, $0x1;
	s4 =	sadd.s32 s22, s1  }
0x15: {  	[timem:s6], [sflag:s23] =	dma.local [hbm:s4], s21  }
0x16: {  	_ =	swait.ge [sflag:s23], s21  }
0x17: {  	s2 =	ssub.s32 $0x0, s21;
	[sflag:s23] =	ssyncset.done $0x0  }
0x18: {  	[sflag:s23] =	ssyncadd.s32 s2;
	_ =	sdelay $0x1  }
0x19: {  	s24 =	simm.s32 $0x1B8B  }
0x1a: {  	_ =	swait.ge [sflag:s24], $0x1  }
0x1b: {  	[sflag:s24] =	ssyncset.done $0x0  }
0x1c: {  	s26 =	simm.s32 $0x1B8E;
	s25 =	sld [smem:$0x3FFE];
	[sflag:s24] =	ssyncadd.s32 $0xFFFFFFFF  }
0x1d: {  	s27 =	simm.s32 $execute0_lowered;
	[smem:$0x3FD2] =	sst s26  }
0x1e: {  	s4 =	sshll.u32 s27, $0x1;
	_ =	strace $0x80000046;
	[dreg:$0x1] =	wrdreg $0xFFFFFFFF  }
0x1f: {  	s28 =	simm.s32 $_size_execute0_lowered;
	s1 =	sadd.s32 s1, s4;
	[dreg:$0x0] =	wrdreg $0x0  }
0x20: {  	s4 =	sshll.u32 s28, $0x1;
	[dreg:$0x2] =	wrdreg s1  }
0x21: {  	[dreg:$0x3] =	wrdreg s4  }
0x22: {  	[dreg:$0x4] =	wrdreg $0xC0  }
0x23: {  	_ =	task [dreg:s6], $0x5FFFF  }
0x24: {  	[dreg:$0x1] =	wrdreg $0xFFFFFFFF  }
0x25: {  	[dreg:$0x0] =	wrdreg $0x60  }
0x26: {  	[dreg:$0x2] =	wrdreg s25  }
0x27: {  	[dreg:$0x3] =	wrdreg $0x9  }
0x28: {  	_ =	task.clear_ibuf [dreg:s6], $0x4FFFF;
	_ =	strace $0x90000046  }
0x29: {  	s29 =	simm.s32 $0x9;
	_ =	strace $0x80000048  }
0x2a: {  	_ =	swait.ge [sflag:s29], $0x1  }
0x2b: {  	[sflag:s29] =	ssyncadd.s32 $0xFFFFFFFF  }
0x2c: {  	_ =	strace $0x90000048  }
0x2d: {  	_ =	sfence  }
0x2e: {  	s30 =	sld [smem:$0x0];
	_ =	sdelay $0x2  }
0x2f: {  	s31 =	sshll.u32 s3, $0xD;
	s3 =	sshrl.u32 s3, $0x2  }
0x30: {  	s2 =	sand.u32 $0x4000, s31;
	s1 =	sadd.s32 s3, s30  }
0x31: {  	s0 =	sor.u32 s2, s0;
	s1 =	sshll.u32 s1, $0x11  }
0x32: {  	s0 =	sor.u32 s1, s0  }
0x33: {  	s0 =	sadd.s32 $0x8F2B, s0  }
0x34: {  	[sflag:s0] =	ssyncadd.remote.s32 $0x1  }
0x35: {  	_ =	sfence.sel $0xFFFF  }
0x36: {  	[dreg:$0x0] =	wrdreg $0xFFFFFFFF;
	(pc) =	sbr.abs _section_cstart, $3  }
0x37: {  	[dreg:$0x1] =	wrdreg $0xFFFFFFFF  }
0x38: {  	_ =	task.clear_ibuf [dreg:s6], $0x2FFFF;
	_ =	strace $0x9FFFFFFF  }
0x39: {  	(tm) =	ssettm $0x7FFFFFFF  }
tec
execute0_lowered:
.L_overlay_start_1:
0x0: {  	(tag) =	ssettag $0x1  }
0x1: {  	s4 =	rddreg [dreg:$0x0]  }
0x2: {  	s0 =	rddreg [dreg:$0x1];
	_ =	strace $0x80000047;
	s3 =	srdreg.scid  }
0x3: {  	s1 =	stileid.u32;
	s6 =	simm.s32 $0x2;
	s10 =	simm.s32 $0x0  }
.Ltmp0:
0x4: {  	p0 =	por $0x0, $0x0;
	s11 =	simm.s32 $0x0;
	(pc) =	sbr.rel .LBB1_1-.Ltmp0, $4  }
0x5: {  	s9 =	simm.s32 $0x0;
	s7 =	simm.s32 $0x0;
	s5 =	sshll.u32 s3, $0x4  }
0x6: {  	s2 =	sadd.s32 $0x1304000, s4;
	s3 =	simm.s32 $0x1;
	s5 =	sand.u32 $0x10, s5  }
0x7: {  	s4 =	sadd.s32 $0x304000, s4;
	[sflag:s3] =	ssyncpa.u1 $0x0;
	s5 =	sor.u32 s1, s5  }
0x8: {  	[sflag:s6] =	ssyncpa.u1 $0x0;
	s6 =	simm.s32 $0x80;
	s8 =	smov.u32 s5  }
.LBB1_5:
0x9: {  	s12 =	sadd.s32 $0x20, s8  }
0xa: {  	s10 =	sadd.s32 $0x20, s9;
	s14 =	smov.u32 s9;
	p2 =	sgt.s32 s12, $0x1FF  }
0xb: {  	p1 =	slt.u32 s7, $0x2;
	s14 =	smov.u32 @p2 s10  }
0xc: {  	s7 =	sadd.s32 $0x1, s7;
	s12 =	smov.u32 @p2 s5;
	p2 =	sgt.s32 s14, $0x1F  }
0xd: {  	s14 =	simm.s32 @p2 $0x0;
	p2 =	sne.s32 s7, $0x12  }
.Ltmp1:
0xe: {  	_ = 	snop;
	(pc) =	sbr.rel @!p2 .LBB1_6-.Ltmp1, $4  }
0xf: {  	s13 =	simm.s32 @!p1 $0x2  }
0x10: {  	s11 =	smov.u32 s9;
	_ =	swait.ge @!p1 [sflag:s13], $0x4000  }
0x11: {  	p0 =	por !p0, !p0;
	s10 =	smov.u32 s8;
	[sflag:s13] =	ssyncset.done @!p1 $0x0  }
0x12: {  	s8 =	smov.u32 s12;
	[sflag:s13] =	ssyncadd.s32 @!p1 $0xFFFFC000;
	s9 =	smov.u32 s14  }
.LBB1_1:
0x13: {  	p1 =	sgt.u32 s7, $0xF  }
0x14: {  	s12 =	sxor.u32 @!p1 $0xFFFFFFFF, s7;
	s13 =	sshll.u32 @!p1 s9, $0xF;
	s14 =	sshll.u32 @!p1 s8, $0x6  }
0x15: {  	s15 =	simm.s32 @!p1 $0x40000;
	s12 =	sshll.u32 @!p1 s12, $0xE;
	s13 =	sadd.s32 @!p1 s2, s13  }
0x16: {  	s12 =	sand.u32 @!p1 $0x4000, s12;
	s13 =	sadd.s32 @!p1 s14, s13;
	s14 =	simm.s32 @!p1 $0x200  }
0x17: {  	[tilespmem:s12], [sflag:$0x1] =	stream.strided.gather @!p1 [hbm4b:s13+s14], $0x4000, s15, s14, $0x38;
	[tilespmem:$0x10400] =	vst v63  }
0x18: {  	p1 =	seq.s32 s7, $0x0  }
0x19: {  	p2 =	seq.s32 @!p1 s7, $0x11  }
0x1a: {  	p1 =	por p1, p2  }
.Ltmp2:
0x1b: {  	_ = 	snop;
	(pc) =	sbr.rel @p1 .LBB1_5-.Ltmp2, $1  }
0x1c: {  	_ =	sdelay $0x3  }
0x1d: {  	s13 =	simm.s32 $0x1  }
0x1e: {  	_ =	swait.ge [sflag:s3], $0x4000;
	s13 =	simm.s32 @!p0 $0x0  }
0x1f: {  	[sflag:s3] =	ssyncset.done $0x0;
	s12 =	sshll.u32 s13, $0xE  }
0x20: {  	[sflag:s3] =	ssyncadd.s32 $0xFFFFC000;
	s12 =	sor.u32 $0x100, s12  }
0x21: {  	s13 =	smul.u32 $0x10800, s13;
	v0 =	vld [tilespmem:s12+$0xF0]  }
0x22: {  	v1 =	vld [tilespmem:s12+$0xFFFFFF10]  }
0x23: {  	s13 =	sshrl.u32 s13, $0x2;
	v2 =	vld [tilespmem:s12+$0xFFFFFF20]  }
0x24: {  	v3 =	vld [tilespmem:s12+$0xFFFFFF30];
	s13 =	sor.u32 $0x8000, s13  }
0x25: {  	v4 =	vld [tilespmem:s12+$0xFFFFFF40];
	s14 =	sadd.s32 $0x0, s13  }
0x26: {  	v5 =	vld [tilespmem:s12+$0xFFFFFF50];
	[tilespmem:s14+$0x3FF0 ss:$0x21] =	vst.msk $0xffff, v0  }
0x27: {  	v6 =	vld [tilespmem:s12+$0x90];
	[tilespmem:s14+$0x210 ss:$0x21] =	vst.msk $0xffff, v1  }
0x28: {  	v7 =	vld [tilespmem:s12+$0xA0];
	[tilespmem:s14+$0x420 ss:$0x21] =	vst.msk $0xffff, v2  }
0x29: {  	v8 =	vld [tilespmem:s12+$0xB0];
	[tilespmem:s14+$0x630 ss:$0x21] =	vst.msk $0xffff, v3  }
0x2a: {  	v0 =	vld [tilespmem:s12+$0xFFFFFF60];
	[tilespmem:s14+$0x840 ss:$0x21] =	vst.msk $0xffff, v4  }
0x2b: {  	v1 =	vld [tilespmem:s12+$0xFFFFFF70];
	[tilespmem:s14+$0xA50 ss:$0x21] =	vst.msk $0xffff, v5  }
0x2c: {  	v2 =	vld [tilespmem:s12+$0xFFFFFF80];
	[tilespmem:s14+$0x3390 ss:$0x21] =	vst.msk $0xffff, v6  }
0x2d: {  	v3 =	vld [tilespmem:s12+$0xFFFFFF90];
	[tilespmem:s14+$0x35A0 ss:$0x21] =	vst.msk $0xffff, v7  }
0x2e: {  	v4 =	vld [tilespmem:s12+$0xFFFFFFA0];
	[tilespmem:s14+$0x37B0 ss:$0x21] =	vst.msk $0xffff, v8  }
0x2f: {  	v5 =	vld [tilespmem:s12+$0x80];
	[tilespmem:s14+$0xC60 ss:$0x21] =	vst.msk $0xffff, v0  }
0x30: {  	[tilespmem:s14+$0xE70 ss:$0x21] =	vst.msk $0xffff, v1;
	v1 =	vld [tilespmem:s12+$0xFFFFFFC0]  }
0x31: {  	v0 =	vld [tilespmem:s12+$0xFFFFFFB0];
	[tilespmem:s14+$0x1080 ss:$0x21] =	vst.msk $0xffff, v2  }
0x32: {  	v2 =	vld [tilespmem:s12+$0xFFFFFFD0];
	[tilespmem:s14+$0x1290 ss:$0x21] =	vst.msk $0xffff, v3  }
0x33: {  	v3 =	vld [tilespmem:s12+$0xFFFFFFE0];
	[tilespmem:s14+$0x14A0 ss:$0x21] =	vst.msk $0xffff, v4  }
0x34: {  	v4 =	vld [tilespmem:s12+$0xFFFFFFF0];
	[tilespmem:s14+$0x3180 ss:$0x21] =	vst.msk $0xffff, v5  }
0x35: {  	[tilespmem:s14+$0x18C0 ss:$0x21] =	vst.msk $0xffff, v1;
	v1 =	vld [tilespmem:s12+$0x10]  }
0x36: {  	[tilespmem:s14+$0x16B0 ss:$0x21] =	vst.msk $0xffff, v0;
	v0 =	vld [tilespmem:s12+$0x0]  }
0x37: {  	[tilespmem:s14+$0x1AD0 ss:$0x21] =	vst.msk $0xffff, v2;
	v2 =	vld [tilespmem:s12+$0x20]  }
0x38: {  	[tilespmem:s14+$0x1CE0 ss:$0x21] =	vst.msk $0xffff, v3;
	v3 =	vld [tilespmem:s12+$0x30]  }
0x39: {  	[tilespmem:s14+$0x1EF0 ss:$0x21] =	vst.msk $0xffff, v4;
	v4 =	vld [tilespmem:s12+$0x40]  }
0x3a: {  	[tilespmem:s14+$0x2310 ss:$0x21] =	vst.msk $0xffff, v1;
	v1 =	vld [tilespmem:s12+$0x60]  }
0x3b: {  	[tilespmem:s14+$0x2100 ss:$0x21] =	vst.msk $0xffff, v0;
	v0 =	vld [tilespmem:s12+$0x50]  }
0x3c: {  	[tilespmem:s14+$0x2520 ss:$0x21] =	vst.msk $0xffff, v2;
	v2 =	vld [tilespmem:s12+$0x70]  }
0x3d: {  	s15 =	sand.u32 $0x1, s7;
	[tilespmem:s14+$0x2730 ss:$0x21] =	vst.msk $0xffff, v3;
	v3 =	vld [tilespmem:s12+$0xC0]  }
0x3e: {  	s15 =	smul.u32 $0x10800, s15;
	[tilespmem:s14+$0x2940 ss:$0x21] =	vst.msk $0xffff, v4;
	v4 =	vld [tilespmem:s12+$0xD0]  }
0x3f: {  	[tilespmem:s14+$0x2D60 ss:$0x21] =	vst.msk $0xffff, v1;
	v1 =	vld [tilespmem:s12+$0xE0]  }
0x40: {  	s16 =	sshrl.u32 s15, $0x2;
	s15 =	sadd.s32 $0x200, s12;
	[tilespmem:s14+$0x2B50 ss:$0x21] =	vst.msk $0xffff, v0;
	v0 =	vld [tilespmem:s12+$0xFFFFFF00]  }
0x41: {  	s17 =	simm.s32 $0x8;
	[tilespmem:s14+$0x2F70 ss:$0x21] =	vst.msk $0xffff, v2;
	s12 =	sor.u32 $0x8000, s16;
	s16 =	simm.s32 $0x4;
	v2 =	vld [tilespmem:s15+$0xF0]  }
.LBB1_3:
0x42: {  	p1 =	sne.s32 s17, $0x7C;
	v5 =	vld [tilespmem:s15+$0xFFFFFF10];
	[tilespmem:s14+$0x39C0 ss:$0x21] =	vst.msk $0xffff, v3  }
0x43: {  	v3 =	vld [tilespmem:s15+$0xFFFFFF20];
	[tilespmem:s14+$0x3BD0 ss:$0x21] =	vst.msk $0xffff, v4  }
0x44: {  	s18 =	sshra.s32 s16, $0x2;
	s16 =	smov.u32 s17;
	v4 =	vld [tilespmem:s15+$0xFFFFFF30];
	[tilespmem:s14+$0x3DE0 ss:$0x21] =	vst.msk $0xffff, v1  }
0x45: {  	v1 =	vld [tilespmem:s15+$0xFFFFFF40];
	[tilespmem:s14+$0x0 ss:$0x21] =	vst.msk $0xffff, v0;
	s14 =	sadd.s32 s18, s13  }
0x46: {  	v0 =	vld [tilespmem:s15+$0xFFFFFF50];
	[tilespmem:s14+$0x3FF0 ss:$0x21] =	vst.msk $0xffff, v2  }
0x47: {  	[tilespmem:s14+$0x210 ss:$0x21] =	vst.msk $0xffff, v5;
	v2 =	vld [tilespmem:s15+$0xFFFFFF60]  }
0x48: {  	[tilespmem:s14+$0x420 ss:$0x21] =	vst.msk $0xffff, v3;
	v3 =	vld [tilespmem:s15+$0xFFFFFF70]  }
0x49: {  	[tilespmem:s14+$0x630 ss:$0x21] =	vst.msk $0xffff, v4;
	v4 =	vld [tilespmem:s15+$0xFFFFFF80]  }
0x4a: {  	[tilespmem:s14+$0x840 ss:$0x21] =	vst.msk $0xffff, v1;
	v1 =	vld [tilespmem:s15+$0xFFFFFF90]  }
0x4b: {  	[tilespmem:s14+$0xA50 ss:$0x21] =	vst.msk $0xffff, v0;
	v0 =	vld [tilespmem:s15+$0xFFFFFFA0]  }
0x4c: {  	[tilespmem:s14+$0xC60 ss:$0x21] =	vst.msk $0xffff, v2;
	v2 =	vld [tilespmem:s15+$0xFFFFFFB0]  }
0x4d: {  	[tilespmem:s14+$0xE70 ss:$0x21] =	vst.msk $0xffff, v3;
	v3 =	vld [tilespmem:s15+$0xFFFFFFC0]  }
0x4e: {  	[tilespmem:s14+$0x1080 ss:$0x21] =	vst.msk $0xffff, v4;
	v4 =	vld [tilespmem:s15+$0xFFFFFFD0]  }
0x4f: {  	[tilespmem:s14+$0x1290 ss:$0x21] =	vst.msk $0xffff, v1;
	v1 =	vld [tilespmem:s15+$0xFFFFFFE0]  }
0x50: {  	[tilespmem:s14+$0x14A0 ss:$0x21] =	vst.msk $0xffff, v0;
	v0 =	vld [tilespmem:s15+$0xFFFFFFF0]  }
0x51: {  	[tilespmem:s14+$0x16B0 ss:$0x21] =	vst.msk $0xffff, v2;
	v2 =	vld [tilespmem:s15+$0x0]  }
0x52: {  	[tilespmem:s14+$0x18C0 ss:$0x21] =	vst.msk $0xffff, v3;
	v3 =	vld [tilespmem:s15+$0x10]  }
0x53: {  	[tilespmem:s14+$0x1AD0 ss:$0x21] =	vst.msk $0xffff, v4;
	v4 =	vld [tilespmem:s15+$0x20]  }
0x54: {  	[tilespmem:s14+$0x1CE0 ss:$0x21] =	vst.msk $0xffff, v1;
	v1 =	vld [tilespmem:s15+$0x30]  }
0x55: {  	[tilespmem:s14+$0x1EF0 ss:$0x21] =	vst.msk $0xffff, v0;
	v0 =	vld [tilespmem:s15+$0x40]  }
0x56: {  	[tilespmem:s14+$0x2100 ss:$0x21] =	vst.msk $0xffff, v2;
	v2 =	vld [tilespmem:s15+$0x50]  }
0x57: {  	[tilespmem:s14+$0x2310 ss:$0x21] =	vst.msk $0xffff, v3;
	v3 =	vld [tilespmem:s15+$0x60]  }
0x58: {  	[tilespmem:s14+$0x2520 ss:$0x21] =	vst.msk $0xffff, v4;
	v4 =	vld [tilespmem:s15+$0x70]  }
0x59: {  	[tilespmem:s14+$0x2730 ss:$0x21] =	vst.msk $0xffff, v1;
	v1 =	vld [tilespmem:s15+$0x80]  }
0x5a: {  	[tilespmem:s14+$0x2940 ss:$0x21] =	vst.msk $0xffff, v0;
	v0 =	vld [tilespmem:s15+$0x90]  }
0x5b: {  	[tilespmem:s14+$0x2B50 ss:$0x21] =	vst.msk $0xffff, v2;
	v2 =	vld [tilespmem:s15+$0xA0]  }
0x5c: {  	[tilespmem:s14+$0x2D60 ss:$0x21] =	vst.msk $0xffff, v3;
	v5 =	vld [tilespmem:s15+$0xB0]  }
.Ltmp3:
0x5d: {  	[tilespmem:s14+$0x2F70 ss:$0x21] =	vst.msk $0xffff, v4;
	v3 =	vld [tilespmem:s15+$0xC0];
	(pc) =	sbr.rel @p1 .LBB1_3-.Ltmp3, $4  }
0x5e: {  	[tilespmem:s14+$0x3180 ss:$0x21] =	vst.msk $0xffff, v1;
	v4 =	vld [tilespmem:s15+$0xD0]  }
0x5f: {  	[tilespmem:s14+$0x3390 ss:$0x21] =	vst.msk $0xffff, v0;
	v1 =	vld [tilespmem:s15+$0xE0]  }
0x60: {  	v0 =	vld [tilespmem:s15+$0xFFFFFF00];
	[tilespmem:s14+$0x35A0 ss:$0x21] =	vst.msk $0xffff, v2;
	s15 =	sadd.s32 $0x200, s15  }
0x61: {  	s17 =	sadd.s32 $0x4, s17;
	v2 =	vld [tilespmem:s15+$0xF0];
	[tilespmem:s14+$0x37B0 ss:$0x21] =	vst.msk $0xffff, v5  }
0x62: {  	v5 =	vld [tilespmem:s15+$0xFFFFFF10];
	[tilespmem:s14+$0x39C0 ss:$0x21] =	vst.msk $0xffff, v3  }
0x63: {  	v34 =	vld [tilespmem:s15+$0xFFFFFF20];
	[tilespmem:s14+$0x3BD0 ss:$0x21] =	vst.msk $0xffff, v4  }
0x64: {  	s16 =	sshra.s32 s16, $0x2;
	v35 =	vld [tilespmem:s15+$0xFFFFFF30];
	[tilespmem:s14+$0x3DE0 ss:$0x21] =	vst.msk $0xffff, v1  }
0x65: {  	v36 =	vld [tilespmem:s15+$0xFFFFFF40];
	s13 =	sadd.s32 s16, s13;
	[tilespmem:s14+$0x0 ss:$0x21] =	vst.msk $0xffff, v0  }
0x66: {  	v37 =	vld [tilespmem:s15+$0xFFFFFF50];
	[tilespmem:s13+$0x3FF0 ss:$0x21] =	vst.msk $0xffff, v2  }
0x67: {  	v38 =	vld [tilespmem:s15+$0xFFFFFF60];
	[tilespmem:s13+$0x210 ss:$0x21] =	vst.msk $0xffff, v5  }
0x68: {  	v39 =	vld [tilespmem:s15+$0xFFFFFF70];
	[tilespmem:s13+$0x420 ss:$0x21] =	vst.msk $0xffff, v34  }
0x69: {  	v40 =	vld [tilespmem:s15+$0xFFFFFF80];
	[tilespmem:s13+$0x630 ss:$0x21] =	vst.msk $0xffff, v35  }
0x6a: {  	v41 =	vld [tilespmem:s15+$0xFFFFFF90];
	[tilespmem:s13+$0x840 ss:$0x21] =	vst.msk $0xffff, v36  }
0x6b: {  	v42 =	vld [tilespmem:s15+$0xFFFFFFA0];
	[tilespmem:s13+$0xA50 ss:$0x21] =	vst.msk $0xffff, v37  }
0x6c: {  	v43 =	vld [tilespmem:s15+$0xFFFFFFB0];
	[tilespmem:s13+$0xC60 ss:$0x21] =	vst.msk $0xffff, v38  }
0x6d: {  	v44 =	vld [tilespmem:s15+$0xFFFFFFC0];
	[tilespmem:s13+$0xE70 ss:$0x21] =	vst.msk $0xffff, v39  }
0x6e: {  	v45 =	vld [tilespmem:s15+$0xFFFFFFD0];
	[tilespmem:s13+$0x1080 ss:$0x21] =	vst.msk $0xffff, v40  }
0x6f: {  	v46 =	vld [tilespmem:s15+$0xFFFFFFE0];
	[tilespmem:s13+$0x1290 ss:$0x21] =	vst.msk $0xffff, v41  }
0x70: {  	v47 =	vld [tilespmem:s15+$0xFFFFFFF0];
	[tilespmem:s13+$0x14A0 ss:$0x21] =	vst.msk $0xffff, v42  }
0x71: {  	v48 =	vld [tilespmem:s15+$0x0];
	[tilespmem:s13+$0x16B0 ss:$0x21] =	vst.msk $0xffff, v43  }
0x72: {  	v49 =	vld [tilespmem:s15+$0x10];
	[tilespmem:s13+$0x18C0 ss:$0x21] =	vst.msk $0xffff, v44  }
0x73: {  	v50 =	vld [tilespmem:s15+$0x20];
	[tilespmem:s13+$0x1AD0 ss:$0x21] =	vst.msk $0xffff, v45  }
0x74: {  	v51 =	vld [tilespmem:s15+$0x30];
	[tilespmem:s13+$0x1CE0 ss:$0x21] =	vst.msk $0xffff, v46  }
0x75: {  	v52 =	vld [tilespmem:s15+$0x40];
	[tilespmem:s13+$0x1EF0 ss:$0x21] =	vst.msk $0xffff, v47  }
0x76: {  	v53 =	vld [tilespmem:s15+$0x50];
	[tilespmem:s13+$0x2100 ss:$0x21] =	vst.msk $0xffff, v48  }
0x77: {  	v54 =	vld [tilespmem:s15+$0x60];
	[tilespmem:s13+$0x2310 ss:$0x21] =	vst.msk $0xffff, v49  }
0x78: {  	v55 =	vld [tilespmem:s15+$0x70];
	[tilespmem:s13+$0x2520 ss:$0x21] =	vst.msk $0xffff, v50  }
0x79: {  	v56 =	vld [tilespmem:s15+$0x80];
	[tilespmem:s13+$0x2730 ss:$0x21] =	vst.msk $0xffff, v51  }
0x7a: {  	v57 =	vld [tilespmem:s15+$0x90];
	[tilespmem:s13+$0x2940 ss:$0x21] =	vst.msk $0xffff, v52  }
0x7b: {  	v58 =	vld [tilespmem:s15+$0xA0];
	[tilespmem:s13+$0x2B50 ss:$0x21] =	vst.msk $0xffff, v53  }
0x7c: {  	v59 =	vld [tilespmem:s15+$0xB0];
	[tilespmem:s13+$0x2D60 ss:$0x21] =	vst.msk $0xffff, v54  }
0x7d: {  	v60 =	vld [tilespmem:s15+$0xC0];
	[tilespmem:s13+$0x2F70 ss:$0x21] =	vst.msk $0xffff, v55  }
0x7e: {  	v61 =	vld [tilespmem:s15+$0xD0];
	[tilespmem:s13+$0x3180 ss:$0x21] =	vst.msk $0xffff, v56  }
0x7f: {  	v62 =	vld [tilespmem:s15+$0xE0];
	[tilespmem:s13+$0x3390 ss:$0x21] =	vst.msk $0xffff, v57  }
0x80: {  	v63 =	vld [tilespmem:s15+$0xFFFFFF00];
	[tilespmem:s13+$0x35A0 ss:$0x21] =	vst.msk $0xffff, v58  }
0x81: {  	[tilespmem:s13+$0x37B0 ss:$0x21] =	vst.msk $0xffff, v59  }
.Ltmp4:
0x82: {  	s29 =	sand.u32 $0x1F80, s11;
	s10 =	sshll.u32 s10, $0xD;
	[tilespmem:s13+$0x39C0 ss:$0x21] =	vst.msk $0xffff, v60;
	(pc) =	sbr.rel .LBB1_5-.Ltmp4, $4  }
0x83: {  	s30 =	sshrl.u32 s11, $0x3;
	s31 =	sand.u32 $0x7, s11;
	s14 =	sadd.s32 s4, s29;
	[tilespmem:s13+$0x3BD0 ss:$0x21] =	vst.msk $0xffff, v61  }
0x84: {  	s15 =	sand.u32 $0xF, s30;
	s11 =	sshll.u32 s31, $0x12;
	s10 =	sadd.s32 s10, s14;
	[tilespmem:s13+$0x3DE0 ss:$0x21] =	vst.msk $0xffff, v62  }
0x85: {  	s11 =	sor.u32 $0x20, s11;
	[tilespmem:s13+$0x0 ss:$0x21] =	vst.msk $0xffff, v63;
	s10 =	sadd.s32 s15, s10  }
0x86: {  	[hbm4b:s10+s11] =	stream.strided.scatter [tilespmem:s12], [sflag:$0x2], $0x4000, s6, s11, $0x10;
	[tilespmem:$0x10400] =	vst v63  }
.LBB1_6:
0x87: {  	_ =	sfence.sel $0x180000  }
0x88: {  	s2 =	simm.s32 $0x1;
	[bflag:$0x0] =	sbarrier.arrive $0xFFFF  }
0x89: {  	s31 =	simm.s32 $0x2;
	[sflag:s2] =	ssyncpa.u1 $0x1  }
0x8a: {  	[sflag:s31] =	ssyncpa.u1 $0x1  }
0x8b: {  	p0 =	sne.s32 s1, $0x0;
	_ =	strace $0x90000047  }
0x8c: {  	s0 =	sadd.s32 @!p0 $0x100000, s0;
	[bflag:$0x2] =	sbarrier.arrive $0xFFFF  }
0x8d: {  	[sflag:s0] =	ssyncadd.tile.s32 @!p0 $0x1;
	_ =	shalt  }
.Lfunc_end1:
_tile_overlayer_lowered:
.L_overlay_start_2:
0x8e: {  	(tag) =	ssettag $0x2  }
0x8f: {  	s0 =	rddreg [dreg:$0x0];
	s2 =	stileid.u32  }
0x90: {  	s1 =	rddreg [dreg:$0x1];
	p0 =	sne.s32 s2, $0x0  }
0x91: {  	s3 =	rddreg [dreg:$0x2];
	[bflag:$0x3] =	sbarrier.arrive $0xFFFF;
	s2 =	simm.s32 @!p0 $0x1C01  }
0x92: {  	[timem:s3], [sflag:s2] =	dma.local @!p0 [hbm:s0], s1  }
0x93: {  	s0 =	simm.s32 @!p0 $0x1  }
0x94: {  	_ =	swait.ge @!p0 [sflag:s0], s1  }
0x95: {  	s1 =	ssub.s32 @!p0 $0x0, s1;
	[sflag:s0] =	ssyncset.done @!p0 $0x0  }
0x96: {  	[sflag:s0] =	ssyncadd.s32 @!p0 s1  }
0x97: {  	[bflag:$0x3] =	sbarrier.arrive $0xFFFF  }
0x98: {  	_ =	shalt  }

</sc_bundles>
